<compile_context>
chip_gen: v7x
topology: tpu7x:2x2x1
jax: 0.10.2.dev20260603
libtpu: 0.0.44.dev20260713+nightly
codegen_flags: <defaults>
</compile_context>

<pallas_src>
import functools

import jax
import jax.numpy as jnp
from jax import lax
from jax.experimental import pallas as pl
from jax.experimental.pallas import tpu as pltpu
from jax.experimental.pallas import tpu_sc as plsc

_N = 10000
_E = 320000
_D = 128
_H = 64

_NC = 2
_NS = 16
_NW = _NC * _NS
_EPW = _E // _NW
_NP = 10240
_RPT = _NP // _NS


def _segsum_sc(y, src_flat, dst_flat, ch, nbuf):
    F = y.shape[1]
    cpw = _EPW // ch
    grp = (cpw + nbuf - 1) // nbuf
    src2d = src_flat.reshape(_E // ch, ch)
    dst2d = dst_flat.reshape(_E // ch, ch)
    mesh = plsc.VectorSubcoreMesh(core_axis_name="c", subcore_axis_name="s")

    @functools.partial(
        pl.kernel,
        mesh=mesh,
        out_type=jax.ShapeDtypeStruct((_NC, _NP, F), jnp.float32),
        compiler_params=pltpu.CompilerParams(use_tc_tiling_on_sc=False),
        scratch_types=[
            pltpu.VMEM_SHARED((_NP, F), jnp.float32),
            pltpu.VMEM((cpw, ch), jnp.int32),
            [pltpu.VMEM((ch,), jnp.int32) for _ in range(nbuf)],
            [pltpu.VMEM((ch, F), jnp.float32) for _ in range(nbuf)],
            [pltpu.SemaphoreType.DMA for _ in range(nbuf)],
            [pltpu.SemaphoreType.DMA for _ in range(nbuf)],
        ],
    )
    def k(y_hbm, src_hbm, dst_hbm, out_hbm, acc, src_v, dbuf, bufs, gsem, dsem):
        c = lax.axis_index("c")
        s = lax.axis_index("s")
        wid = s * _NC + c
        row0 = s * _RPT
        crow0 = wid * cpw

        gidx = pltpu.async_copy(src_hbm.at[pl.ds(crow0, cpw)], src_v, gsem[0])

        def zrow(r, carry):
            for j in range(F // 16):
                bufs[0][r, pl.ds(j * 16, 16)] = jnp.zeros((16,), jnp.float32)
            return carry
        lax.fori_loop(0, ch, zrow, 0)
        for j in range(_RPT // ch):
            pltpu.sync_copy(bufs[0], acc.at[pl.ds(row0 + j * ch, ch)])
        if _RPT % ch:
            pltpu.sync_copy(bufs[0].at[pl.ds(0, _RPT % ch)],
                            acc.at[pl.ds(row0 + (_RPT // ch) * ch, _RPT % ch)])
        gidx.wait()

        for b in range(nbuf - 1):
            pltpu.async_copy(dst_hbm.at[crow0 + b], dbuf[b], dsem[b])
            pltpu.async_copy(y_hbm.at[src_v.at[b]], bufs[b], gsem[b])
        plsc.subcore_barrier()

        def group(g, carry):
            for b in range(nbuf):
                cix = g * nbuf + b
                b_next = (b + nbuf - 1) % nbuf
                @pl.when(cix + nbuf - 1 < cpw)
                def _():
                    pltpu.async_copy(
                        dst_hbm.at[crow0 + cix + nbuf - 1], dbuf[b_next], dsem[b_next])
                    pltpu.async_copy(
                        y_hbm.at[src_v.at[cix + nbuf - 1]], bufs[b_next], gsem[b_next])
                @pl.when(cix < cpw)
                def _():
                    pltpu.make_async_copy(y_hbm.at[src_v.at[cix]], bufs[b], gsem[b]).wait()
                    pltpu.make_async_copy(dst_hbm.at[crow0 + cix], dbuf[b], dsem[b]).wait()
                    pltpu.sync_copy(bufs[b], acc.at[dbuf[b]], add=True)
            return carry
        lax.fori_loop(0, grp, group, 0)

        plsc.subcore_barrier()
        pltpu.sync_copy(acc.at[pl.ds(row0, _RPT)],
                        out_hbm.at[c, pl.ds(row0, _RPT)])

    return k(y, src2d, dst2d)


def _stage_b(x_ref, p_ref, w1a_ref, b1a_ref, w1b_ref, b1b_ref, o_ref):
    h = x_ref[...] + (p_ref[0] + p_ref[1])[: _N]
    h = jax.nn.relu(jnp.dot(h, w1a_ref[...], preferred_element_type=jnp.float32) + b1a_ref[...])
    h = jnp.dot(h, w1b_ref[...], preferred_element_type=jnp.float32) + b1b_ref[...]
    o_ref[...] = jax.nn.relu(h)


def _stage_c(g_ref, p_ref, w2a_ref, b2a_ref, w2b_ref, b2b_ref, wl_ref, bl_ref, wp_ref, bp_ref, o_ref):
    t = g_ref[...] + (p_ref[0] + p_ref[1])[: _N]
    t = jax.nn.relu(jnp.dot(t, w2a_ref[...], preferred_element_type=jnp.float32) + b2a_ref[...])
    h2 = jnp.dot(t, w2b_ref[...], preferred_element_type=jnp.float32) + b2b_ref[...]
    emb = jax.nn.relu(h2)
    e2 = jax.nn.relu(jnp.dot(emb, wl_ref[...], preferred_element_type=jnp.float32) + bl_ref[...])
    z = jnp.dot(e2, wp_ref[...], preferred_element_type=jnp.float32) + bp_ref[...]
    o_ref[...] = 1.0 / (1.0 + jnp.exp(-z))


def kernel(graph_x, graph_edge, W1a, b1a, W1b, b1b, W2a, b2a, W2b, b2b, Wl, bl, Wp, bp):
    src = graph_edge[0]
    dst = graph_edge[1]

    p1 = _segsum_sc(graph_x, src, dst, ch=100, nbuf=3)

    g = pl.pallas_call(
        _stage_b, out_shape=jax.ShapeDtypeStruct((_N, _H), jnp.float32),
    )(graph_x, p1, W1a, b1a.reshape(1, -1), W1b, b1b.reshape(1, -1))

    p2 = _segsum_sc(g, src, dst, ch=125, nbuf=5)

    out = pl.pallas_call(
        _stage_c, out_shape=jax.ShapeDtypeStruct((_N, 1), jnp.float32),
    )(g, p2, W2a, b2a.reshape(1, -1), W2b, b2b.reshape(1, -1), Wl,
      bl.reshape(1, -1), Wp, bp.reshape(1, 1))
    return out

# --- scband reference (transcript-rebuilt; emitter-appended) ---
"""Pipeline reference for scband-gine-79173427134963 (READ-ONLY COPY).

The authoritative reference and input builder live on the scoring server;
editing this copy changes nothing except your own understanding.
"""

import jax, jax.numpy as jnp
import numpy as np

N = 10000
E = 320000
D = 128
H = 64
O = 128


def _init_w(key, fan_in, fan_out):
    return jax.random.normal(key, (fan_in, fan_out), dtype=jnp.float32) * (1.0 / np.sqrt(fan_in))


def setup_inputs(seed: int = 0) -> dict:
    key = jax.random.key(seed)
    ks = jax.random.split(key, 12)
    graph_x = jax.random.normal(ks[0], (N, D), dtype=jnp.float32)
    graph_edge = jax.random.randint(ks[1], (2, E), 0, N)
    # GIN conv 1 MLP: D -> H -> H
    W1a = _init_w(ks[2], D, H); b1a = jnp.zeros((H,), jnp.float32)
    W1b = _init_w(ks[3], H, H); b1b = jnp.zeros((H,), jnp.float32)
    # GIN conv 2 MLP: H -> H -> O
    W2a = _init_w(ks[4], H, H); b2a = jnp.zeros((H,), jnp.float32)
    W2b = _init_w(ks[5], H, O); b2b = jnp.zeros((O,), jnp.float32)
    # post linear O -> O and property map O -> 1
    Wl = _init_w(ks[6], O, O); bl = jnp.zeros((O,), jnp.float32)
    Wp = _init_w(ks[7], O, 1); bp = jnp.zeros((1,), jnp.float32)
    return {"graph_x": graph_x, "graph_edge": graph_edge,
            "W1a": W1a, "b1a": b1a, "W1b": W1b, "b1b": b1b,
            "W2a": W2a, "b2a": b2a, "W2b": W2b, "b2b": b2b,
            "Wl": Wl, "bl": bl, "Wp": Wp, "bp": bp}


def _gin_conv(x, src, dst, Wa, ba, Wb, bb):
    # GIN aggregation: h_i = MLP((1 + eps) * x_i + sum_{j in N(i)} x_j), eps = 0
    msg = x[src]                                   # gather  [E, d]
    agg = jax.ops.segment_sum(msg, dst, num_segments=N)  # scatter-add [N, d]
    h = x + agg
    h = jax.nn.relu(h @ Wa + ba)
    h = h @ Wb + bb
    return h


def reference(graph_x, graph_edge, W1a, b1a, W1b, b1b, W2a, b2a, W2b, b2b, Wl, bl, Wp, bp):
    src = graph_edge[0]
    dst = graph_edge[1]
    # GINEmbedding: two GIN conv layers with ReLU in between
    h = _gin_conv(graph_x, src, dst, W1a, b1a, W1b, b1b)
    h = jax.nn.relu(h)
    h = _gin_conv(h, src, dst, W2a, b2a, W2b, b2b)
    # get_GINEmbedding tail
    emb = jax.nn.relu(h)
    emb = emb @ Wl + bl
    emb = jax.nn.relu(emb)
    # property map + sigmoid
    out = emb @ Wp + bp
    return jax.nn.sigmoid(out)

if __name__ == "__main__":
    import jax
    _d = setup_inputs()
    print(jax.jit(kernel)(*tuple(_d.values())))

</pallas_src>

<mosaic_0001>
#map = affine_map<(d0, d1) -> (0, 0)>
#map1 = affine_map<(d0, d1) -> (0, 0, 0)>
module attributes {stable_mosaic.version = 14 : i64} {
  func.func @k(%arg0: i32, %arg1: i32, %arg2: memref<10000x64xf32, #tpu.memory_space<hbm>>, %arg3: memref<2560x125xi32, #tpu.memory_space<hbm>>, %arg4: memref<2560x125xi32, #tpu.memory_space<hbm>>, %arg5: memref<2x10240x64xf32, #tpu.memory_space<hbm>>, %arg6: memref<10240x64xf32, #tpu.memory_space<vmem_shared>>, %arg7: memref<80x125xi32, #tpu.memory_space<vmem>>, %arg8: memref<125xi32, #tpu.memory_space<vmem>>, %arg9: memref<125xi32, #tpu.memory_space<vmem>>, %arg10: memref<125xi32, #tpu.memory_space<vmem>>, %arg11: memref<125xi32, #tpu.memory_space<vmem>>, %arg12: memref<125xi32, #tpu.memory_space<vmem>>, %arg13: memref<125x64xf32, #tpu.memory_space<vmem>>, %arg14: memref<125x64xf32, #tpu.memory_space<vmem>>, %arg15: memref<125x64xf32, #tpu.memory_space<vmem>>, %arg16: memref<125x64xf32, #tpu.memory_space<vmem>>, %arg17: memref<125x64xf32, #tpu.memory_space<vmem>>, %arg18: memref<!tpu.dma_semaphore, #tpu.memory_space<semaphore_mem>>, %arg19: memref<!tpu.dma_semaphore, #tpu.memory_space<semaphore_mem>>, %arg20: memref<!tpu.dma_semaphore, #tpu.memory_space<semaphore_mem>>, %arg21: memref<!tpu.dma_semaphore, #tpu.memory_space<semaphore_mem>>, %arg22: memref<!tpu.dma_semaphore, #tpu.memory_space<semaphore_mem>>, %arg23: memref<!tpu.dma_semaphore, #tpu.memory_space<semaphore_mem>>, %arg24: memref<!tpu.dma_semaphore, #tpu.memory_space<semaphore_mem>>, %arg25: memref<!tpu.dma_semaphore, #tpu.memory_space<semaphore_mem>>, %arg26: memref<!tpu.dma_semaphore, #tpu.memory_space<semaphore_mem>>, %arg27: memref<!tpu.dma_semaphore, #tpu.memory_space<semaphore_mem>>) attributes {dimension_semantics = [#tpu.dimension_semantics<core_parallel>, #tpu.dimension_semantics<subcore_parallel>], iteration_bounds = array<i64: 2, 16>, scalar_prefetch = 0 : i64, scratch_operands = 22 : i64, tpu.core_type = #tpu.core_type<sc_vector_subcore>, window_params = [{transform_indices = #map}, {transform_indices = #map}, {transform_indices = #map}, {transform_indices = #map1}]} {
    %mul3A = arith.constant 2 : i32
    %mul3A_0 = arith.muli %arg1, %mul3A : i32
    %add3A = arith.addi %mul3A_0, %arg0 : i32
    %mul3A_1 = arith.constant 640 : i32
    %mul3A_2 = arith.muli %arg1, %mul3A_1 : i32
    %mul3A_3 = arith.constant 80 : i32
    %mul3A_4 = arith.muli %add3A, %mul3A_3 : i32
    %dma_start3A = arith.constant 0 : i32
    %dma_start3A_5 = tpu.memref_slice %arg3[%mul3A_4, %dma_start3A] : memref<2560x125xi32, #tpu.memory_space<hbm>> -> memref<80x125xi32, #tpu.memory_space<hbm>>
    %dma_start3A_6 = arith.constant 0 : i32
    %dma_start3A_7 = tpu.memref_slice %arg3[%mul3A_4, %dma_start3A_6] : memref<2560x125xi32, #tpu.memory_space<hbm>> -> memref<80x125xi32, #tpu.memory_space<hbm>>
    tpu.enqueue_dma source(%dma_start3A_7 : memref<80x125xi32, #tpu.memory_space<hbm>>) target(%arg7 : memref<80x125xi32, #tpu.memory_space<vmem>>) target_semaphore(%arg18 : memref<!tpu.dma_semaphore, #tpu.memory_space<semaphore_mem>>)
    %scan3A = arith.constant 0 : i32
    %scan3A_8 = arith.constant 0 : i32
    %scan3A_9 = arith.constant 125 : i32
    %scan3A_10 = arith.addi %scan3A_8, %scan3A_9 : i32
    %scan3A_11 = arith.constant 1 : i32
    scf.for %scan3A_95 = %scan3A_8 to %scan3A_10 step %scan3A_11  : i32 {
      %broadcast_in_dim3A = arith.constant 0.000000e+00 : f32
      %broadcast_in_dim3A_96 = vector.broadcast %broadcast_in_dim3A : f32 to vector<16xf32>
      %swap3A = arith.index_cast %scan3A_95 : i32 to index
      %swap3A_97 = arith.constant 0 : index
      %swap3A_98 = tpu.vector_load %arg13[%swap3A, %swap3A_97] {strides = array<i32>} : memref<125x64xf32, #tpu.memory_space<vmem>>, vector<1x16xf32>,
      %swap3A_99 = vector.shape_cast %swap3A_98 : vector<1x16xf32> to vector<16xf32>
      %swap3A_100 = vector.shape_cast %broadcast_in_dim3A_96 : vector<16xf32> to vector<1x16xf32>
      tpu.vector_store %arg13[%swap3A, %swap3A_97], %swap3A_100 {strides = array<i32>} : memref<125x64xf32, #tpu.memory_space<vmem>>, vector<1x16xf32>,
      %broadcast_in_dim3A_101 = arith.constant 0.000000e+00 : f32
      %broadcast_in_dim3A_102 = vector.broadcast %broadcast_in_dim3A_101 : f32 to vector<16xf32>
      %swap3A_103 = arith.index_cast %scan3A_95 : i32 to index
      %swap3A_104 = arith.constant 16 : index
      %swap3A_105 = tpu.vector_load %arg13[%swap3A_103, %swap3A_104] {strides = array<i32>} : memref<125x64xf32, #tpu.memory_space<vmem>>, vector<1x16xf32>,
      %swap3A_106 = vector.shape_cast %swap3A_105 : vector<1x16xf32> to vector<16xf32>
      %swap3A_107 = vector.shape_cast %broadcast_in_dim3A_102 : vector<16xf32> to vector<1x16xf32>
      tpu.vector_store %arg13[%swap3A_103, %swap3A_104], %swap3A_107 {strides = array<i32>} : memref<125x64xf32, #tpu.memory_space<vmem>>, vector<1x16xf32>,
      %broadcast_in_dim3A_108 = arith.constant 0.000000e+00 : f32
      %broadcast_in_dim3A_109 = vector.broadcast %broadcast_in_dim3A_108 : f32 to vector<16xf32>
      %swap3A_110 = arith.index_cast %scan3A_95 : i32 to index
      %swap3A_111 = arith.constant 32 : index
      %swap3A_112 = tpu.vector_load %arg13[%swap3A_110, %swap3A_111] {strides = array<i32>} : memref<125x64xf32, #tpu.memory_space<vmem>>, vector<1x16xf32>,
      %swap3A_113 = vector.shape_cast %swap3A_112 : vector<1x16xf32> to vector<16xf32>
      %swap3A_114 = vector.shape_cast %broadcast_in_dim3A_109 : vector<16xf32> to vector<1x16xf32>
      tpu.vector_store %arg13[%swap3A_110, %swap3A_111], %swap3A_114 {strides = array<i32>} : memref<125x64xf32, #tpu.memory_space<vmem>>, vector<1x16xf32>,
      %broadcast_in_dim3A_115 = arith.constant 0.000000e+00 : f32
      %broadcast_in_dim3A_116 = vector.broadcast %broadcast_in_dim3A_115 : f32 to vector<16xf32>
      %swap3A_117 = arith.index_cast %scan3A_95 : i32 to index
      %swap3A_118 = arith.constant 48 : index
      %swap3A_119 = tpu.vector_load %arg13[%swap3A_117, %swap3A_118] {strides = array<i32>} : memref<125x64xf32, #tpu.memory_space<vmem>>, vector<1x16xf32>,
      %swap3A_120 = vector.shape_cast %swap3A_119 : vector<1x16xf32> to vector<16xf32>
      %swap3A_121 = vector.shape_cast %broadcast_in_dim3A_116 : vector<16xf32> to vector<1x16xf32>
      tpu.vector_store %arg13[%swap3A_117, %swap3A_118], %swap3A_121 {strides = array<i32>} : memref<125x64xf32, #tpu.memory_space<vmem>>, vector<1x16xf32>,
    }
    %scan3A_12 = arith.constant 125 : i32
    %add3A_13 = arith.constant 0 : i32
    %add3A_14 = arith.addi %mul3A_2, %add3A_13 : i32
    "tpu.region"() ({
      %run_scoped3A = tpu.sem_alloc : memref<!tpu.dma_semaphore, #tpu.memory_space<semaphore_mem>>
      %dma_start3A_95 = arith.constant 0 : i32
      %dma_start3A_96 = tpu.memref_slice %arg6[%add3A_14, %dma_start3A_95] : memref<10240x64xf32, #tpu.memory_space<vmem_shared>> -> memref<125x64xf32, #tpu.memory_space<vmem_shared>>
      %dma_start3A_97 = arith.constant 0 : i32
      %dma_start3A_98 = tpu.memref_slice %arg6[%add3A_14, %dma_start3A_97] : memref<10240x64xf32, #tpu.memory_space<vmem_shared>> -> memref<125x64xf32, #tpu.memory_space<vmem_shared>>
      tpu.enqueue_dma source(%arg13 : memref<125x64xf32, #tpu.memory_space<vmem>>) target(%dma_start3A_98 : memref<125x64xf32, #tpu.memory_space<vmem_shared>>) target_semaphore(%run_scoped3A : memref<!tpu.dma_semaphore, #tpu.memory_space<semaphore_mem>>)
      %dma_wait3A_99 = arith.constant 0 : i32
      %dma_wait3A_100 = tpu.memref_slice %arg6[%add3A_14, %dma_wait3A_99] : memref<10240x64xf32, #tpu.memory_space<vmem_shared>> -> memref<125x64xf32, #tpu.memory_space<vmem_shared>>
      %dma_wait3A_101 = arith.constant 0 : i32
      %dma_wait3A_102 = tpu.memref_slice %arg6[%add3A_14, %dma_wait3A_101] : memref<10240x64xf32, #tpu.memory_space<vmem_shared>> -> memref<125x64xf32, #tpu.memory_space<vmem_shared>>
      tpu.wait_dma2 semaphore(%run_scoped3A : memref<!tpu.dma_semaphore, #tpu.memory_space<semaphore_mem>>) src(%arg13 : memref<125x64xf32, #tpu.memory_space<vmem>>) dst(%dma_wait3A_102 : memref<125x64xf32, #tpu.memory_space<vmem_shared>>)
      tpu.yield
    }) : () -> ()
    %add3A_15 = arith.constant 125 : i32
    %add3A_16 = arith.addi %mul3A_2, %add3A_15 : i32
    "tpu.region"() ({
      %run_scoped3A = tpu.sem_alloc : memref<!tpu.dma_semaphore, #tpu.memory_space<semaphore_mem>>
      %dma_start3A_95 = arith.constant 0 : i32
      %dma_start3A_96 = tpu.memref_slice %arg6[%add3A_16, %dma_start3A_95] : memref<10240x64xf32, #tpu.memory_space<vmem_shared>> -> memref<125x64xf32, #tpu.memory_space<vmem_shared>>
      %dma_start3A_97 = arith.constant 0 : i32
      %dma_start3A_98 = tpu.memref_slice %arg6[%add3A_16, %dma_start3A_97] : memref<10240x64xf32, #tpu.memory_space<vmem_shared>> -> memref<125x64xf32, #tpu.memory_space<vmem_shared>>
      tpu.enqueue_dma source(%arg13 : memref<125x64xf32, #tpu.memory_space<vmem>>) target(%dma_start3A_98 : memref<125x64xf32, #tpu.memory_space<vmem_shared>>) target_semaphore(%run_scoped3A : memref<!tpu.dma_semaphore, #tpu.memory_space<semaphore_mem>>)
      %dma_wait3A_99 = arith.constant 0 : i32
      %dma_wait3A_100 = tpu.memref_slice %arg6[%add3A_16, %dma_wait3A_99] : memref<10240x64xf32, #tpu.memory_space<vmem_shared>> -> memref<125x64xf32, #tpu.memory_space<vmem_shared>>
      %dma_wait3A_101 = arith.constant 0 : i32
      %dma_wait3A_102 = tpu.memref_slice %arg6[%add3A_16, %dma_wait3A_101] : memref<10240x64xf32, #tpu.memory_space<vmem_shared>> -> memref<125x64xf32, #tpu.memory_space<vmem_shared>>
      tpu.wait_dma2 semaphore(%run_scoped3A : memref<!tpu.dma_semaphore, #tpu.memory_space<semaphore_mem>>) src(%arg13 : memref<125x64xf32, #tpu.memory_space<vmem>>) dst(%dma_wait3A_102 : memref<125x64xf32, #tpu.memory_space<vmem_shared>>)
      tpu.yield
    }) : () -> ()
    %add3A_17 = arith.constant 250 : i32
    %add3A_18 = arith.addi %mul3A_2, %add3A_17 : i32
    "tpu.region"() ({
      %run_scoped3A = tpu.sem_alloc : memref<!tpu.dma_semaphore, #tpu.memory_space<semaphore_mem>>
      %dma_start3A_95 = arith.constant 0 : i32
      %dma_start3A_96 = tpu.memref_slice %arg6[%add3A_18, %dma_start3A_95] : memref<10240x64xf32, #tpu.memory_space<vmem_shared>> -> memref<125x64xf32, #tpu.memory_space<vmem_shared>>
      %dma_start3A_97 = arith.constant 0 : i32
      %dma_start3A_98 = tpu.memref_slice %arg6[%add3A_18, %dma_start3A_97] : memref<10240x64xf32, #tpu.memory_space<vmem_shared>> -> memref<125x64xf32, #tpu.memory_space<vmem_shared>>
      tpu.enqueue_dma source(%arg13 : memref<125x64xf32, #tpu.memory_space<vmem>>) target(%dma_start3A_98 : memref<125x64xf32, #tpu.memory_space<vmem_shared>>) target_semaphore(%run_scoped3A : memref<!tpu.dma_semaphore, #tpu.memory_space<semaphore_mem>>)
      %dma_wait3A_99 = arith.constant 0 : i32
      %dma_wait3A_100 = tpu.memref_slice %arg6[%add3A_18, %dma_wait3A_99] : memref<10240x64xf32, #tpu.memory_space<vmem_shared>> -> memref<125x64xf32, #tpu.memory_space<vmem_shared>>
      %dma_wait3A_101 = arith.constant 0 : i32
      %dma_wait3A_102 = tpu.memref_slice %arg6[%add3A_18, %dma_wait3A_101] : memref<10240x64xf32, #tpu.memory_space<vmem_shared>> -> memref<125x64xf32, #tpu.memory_space<vmem_shared>>
      tpu.wait_dma2 semaphore(%run_scoped3A : memref<!tpu.dma_semaphore, #tpu.memory_space<semaphore_mem>>) src(%arg13 : memref<125x64xf32, #tpu.memory_space<vmem>>) dst(%dma_wait3A_102 : memref<125x64xf32, #tpu.memory_space<vmem_shared>>)
      tpu.yield
    }) : () -> ()
    %add3A_19 = arith.constant 375 : i32
    %add3A_20 = arith.addi %mul3A_2, %add3A_19 : i32
    "tpu.region"() ({
      %run_scoped3A = tpu.sem_alloc : memref<!tpu.dma_semaphore, #tpu.memory_space<semaphore_mem>>
      %dma_start3A_95 = arith.constant 0 : i32
      %dma_start3A_96 = tpu.memref_slice %arg6[%add3A_20, %dma_start3A_95] : memref<10240x64xf32, #tpu.memory_space<vmem_shared>> -> memref<125x64xf32, #tpu.memory_space<vmem_shared>>
      %dma_start3A_97 = arith.constant 0 : i32
      %dma_start3A_98 = tpu.memref_slice %arg6[%add3A_20, %dma_start3A_97] : memref<10240x64xf32, #tpu.memory_space<vmem_shared>> -> memref<125x64xf32, #tpu.memory_space<vmem_shared>>
      tpu.enqueue_dma source(%arg13 : memref<125x64xf32, #tpu.memory_space<vmem>>) target(%dma_start3A_98 : memref<125x64xf32, #tpu.memory_space<vmem_shared>>) target_semaphore(%run_scoped3A : memref<!tpu.dma_semaphore, #tpu.memory_space<semaphore_mem>>)
      %dma_wait3A_99 = arith.constant 0 : i32
      %dma_wait3A_100 = tpu.memref_slice %arg6[%add3A_20, %dma_wait3A_99] : memref<10240x64xf32, #tpu.memory_space<vmem_shared>> -> memref<125x64xf32, #tpu.memory_space<vmem_shared>>
      %dma_wait3A_101 = arith.constant 0 : i32
      %dma_wait3A_102 = tpu.memref_slice %arg6[%add3A_20, %dma_wait3A_101] : memref<10240x64xf32, #tpu.memory_space<vmem_shared>> -> memref<125x64xf32, #tpu.memory_space<vmem_shared>>
      tpu.wait_dma2 semaphore(%run_scoped3A : memref<!tpu.dma_semaphore, #tpu.memory_space<semaphore_mem>>) src(%arg13 : memref<125x64xf32, #tpu.memory_space<vmem>>) dst(%dma_wait3A_102 : memref<125x64xf32, #tpu.memory_space<vmem_shared>>)
      tpu.yield
    }) : () -> ()
    %add3A_21 = arith.constant 500 : i32
    %add3A_22 = arith.addi %mul3A_2, %add3A_21 : i32
    "tpu.region"() ({
      %run_scoped3A = tpu.sem_alloc : memref<!tpu.dma_semaphore, #tpu.memory_space<semaphore_mem>>
      %dma_start3A_95 = arith.constant 0 : i32
      %dma_start3A_96 = tpu.memref_slice %arg6[%add3A_22, %dma_start3A_95] : memref<10240x64xf32, #tpu.memory_space<vmem_shared>> -> memref<125x64xf32, #tpu.memory_space<vmem_shared>>
      %dma_start3A_97 = arith.constant 0 : i32
      %dma_start3A_98 = tpu.memref_slice %arg6[%add3A_22, %dma_start3A_97] : memref<10240x64xf32, #tpu.memory_space<vmem_shared>> -> memref<125x64xf32, #tpu.memory_space<vmem_shared>>
      tpu.enqueue_dma source(%arg13 : memref<125x64xf32, #tpu.memory_space<vmem>>) target(%dma_start3A_98 : memref<125x64xf32, #tpu.memory_space<vmem_shared>>) target_semaphore(%run_scoped3A : memref<!tpu.dma_semaphore, #tpu.memory_space<semaphore_mem>>)
      %dma_wait3A_99 = arith.constant 0 : i32
      %dma_wait3A_100 = tpu.memref_slice %arg6[%add3A_22, %dma_wait3A_99] : memref<10240x64xf32, #tpu.memory_space<vmem_shared>> -> memref<125x64xf32, #tpu.memory_space<vmem_shared>>
      %dma_wait3A_101 = arith.constant 0 : i32
      %dma_wait3A_102 = tpu.memref_slice %arg6[%add3A_22, %dma_wait3A_101] : memref<10240x64xf32, #tpu.memory_space<vmem_shared>> -> memref<125x64xf32, #tpu.memory_space<vmem_shared>>
      tpu.wait_dma2 semaphore(%run_scoped3A : memref<!tpu.dma_semaphore, #tpu.memory_space<semaphore_mem>>) src(%arg13 : memref<125x64xf32, #tpu.memory_space<vmem>>) dst(%dma_wait3A_102 : memref<125x64xf32, #tpu.memory_space<vmem_shared>>)
      tpu.yield
    }) : () -> ()
    %add3A_23 = arith.constant 625 : i32
    %add3A_24 = arith.addi %mul3A_2, %add3A_23 : i32
    "tpu.region"() ({
      %run_scoped3A = tpu.sem_alloc : memref<!tpu.dma_semaphore, #tpu.memory_space<semaphore_mem>>
      %dma_start3A_95 = arith.constant 0 : i32
      %dma_start3A_96 = arith.constant 0 : i32
      %dma_start3A_97 = tpu.memref_slice %arg13[%dma_start3A_95, %dma_start3A_96] : memref<125x64xf32, #tpu.memory_space<vmem>> -> memref<15x64xf32, #tpu.memory_space<vmem>>
      %dma_start3A_98 = arith.constant 0 : i32
      %dma_start3A_99 = tpu.memref_slice %arg6[%add3A_24, %dma_start3A_98] : memref<10240x64xf32, #tpu.memory_space<vmem_shared>> -> memref<15x64xf32, #tpu.memory_space<vmem_shared>>
      %dma_start3A_100 = arith.constant 0 : i32
      %dma_start3A_101 = tpu.memref_slice %arg6[%add3A_24, %dma_start3A_100] : memref<10240x64xf32, #tpu.memory_space<vmem_shared>> -> memref<15x64xf32, #tpu.memory_space<vmem_shared>>
      %dma_start3A_102 = arith.constant 0 : i32
      %dma_start3A_103 = arith.constant 0 : i32
      %dma_start3A_104 = tpu.memref_slice %arg13[%dma_start3A_102, %dma_start3A_103] : memref<125x64xf32, #tpu.memory_space<vmem>> -> memref<15x64xf32, #tpu.memory_space<vmem>>
      tpu.enqueue_dma source(%dma_start3A_104 : memref<15x64xf32, #tpu.memory_space<vmem>>) target(%dma_start3A_101 : memref<15x64xf32, #tpu.memory_space<vmem_shared>>) target_semaphore(%run_scoped3A : memref<!tpu.dma_semaphore, #tpu.memory_space<semaphore_mem>>)
      %dma_wait3A_105 = arith.constant 0 : i32
      %dma_wait3A_106 = arith.constant 0 : i32
      %dma_wait3A_107 = tpu.memref_slice %arg13[%dma_wait3A_105, %dma_wait3A_106] : memref<125x64xf32, #tpu.memory_space<vmem>> -> memref<15x64xf32, #tpu.memory_space<vmem>>
      %dma_wait3A_108 = arith.constant 0 : i32
      %dma_wait3A_109 = tpu.memref_slice %arg6[%add3A_24, %dma_wait3A_108] : memref<10240x64xf32, #tpu.memory_space<vmem_shared>> -> memref<15x64xf32, #tpu.memory_space<vmem_shared>>
      %dma_wait3A_110 = arith.constant 0 : i32
      %dma_wait3A_111 = tpu.memref_slice %arg6[%add3A_24, %dma_wait3A_110] : memref<10240x64xf32, #tpu.memory_space<vmem_shared>> -> memref<15x64xf32, #tpu.memory_space<vmem_shared>>
      %dma_wait3A_112 = arith.constant 0 : i32
      %dma_wait3A_113 = arith.constant 0 : i32
      %dma_wait3A_114 = tpu.memref_slice %arg13[%dma_wait3A_112, %dma_wait3A_113] : memref<125x64xf32, #tpu.memory_space<vmem>> -> memref<15x64xf32, #tpu.memory_space<vmem>>
      tpu.wait_dma2 semaphore(%run_scoped3A : memref<!tpu.dma_semaphore, #tpu.memory_space<semaphore_mem>>) src(%dma_wait3A_114 : memref<15x64xf32, #tpu.memory_space<vmem>>) dst(%dma_wait3A_111 : memref<15x64xf32, #tpu.memory_space<vmem_shared>>)
      tpu.yield
    }) : () -> ()
    %dma_wait3A = arith.constant 0 : i32
    %dma_wait3A_25 = tpu.memref_slice %arg3[%mul3A_4, %dma_wait3A] : memref<2560x125xi32, #tpu.memory_space<hbm>> -> memref<80x125xi32, #tpu.memory_space<hbm>>
    %dma_wait3A_26 = arith.constant 0 : i32
    %dma_wait3A_27 = tpu.memref_slice %arg3[%mul3A_4, %dma_wait3A_26] : memref<2560x125xi32, #tpu.memory_space<hbm>> -> memref<80x125xi32, #tpu.memory_space<hbm>>
    tpu.wait_dma2 semaphore(%arg18 : memref<!tpu.dma_semaphore, #tpu.memory_space<semaphore_mem>>) src(%dma_wait3A_27 : memref<80x125xi32, #tpu.memory_space<hbm>>) dst(%arg7 : memref<80x125xi32, #tpu.memory_space<vmem>>)
    %add3A_28 = arith.constant 0 : i32
    %add3A_29 = arith.addi %mul3A_4, %add3A_28 : i32
    %dma_start3A_30 = arith.constant 0 : i32
    %dma_start3A_31 = tpu.memref_slice %arg4[%add3A_29, %dma_start3A_30] : memref<2560x125xi32, #tpu.memory_space<hbm>> -> memref<1x125xi32, #tpu.memory_space<hbm>>
    %dma_start3A_32 = tpu.memref_squeeze %dma_start3A_31 : memref<1x125xi32, #tpu.memory_space<hbm>> -> memref<125xi32, #tpu.memory_space<hbm>>
    %dma_start3A_33 = arith.constant 0 : i32
    %dma_start3A_34 = tpu.memref_slice %arg4[%add3A_29, %dma_start3A_33] : memref<2560x125xi32, #tpu.memory_space<hbm>> -> memref<1x125xi32, #tpu.memory_space<hbm>>
    %dma_start3A_35 = tpu.memref_squeeze %dma_start3A_34 : memref<1x125xi32, #tpu.memory_space<hbm>> -> memref<125xi32, #tpu.memory_space<hbm>>
    tpu.enqueue_dma source(%dma_start3A_35 : memref<125xi32, #tpu.memory_space<hbm>>) target(%arg8 : memref<125xi32, #tpu.memory_space<vmem>>) target_semaphore(%arg23 : memref<!tpu.dma_semaphore, #tpu.memory_space<semaphore_mem>>)
    %dma_start3A_36 = arith.constant 0 : i32
    %dma_start3A_37 = arith.constant 0 : i32
    %dma_start3A_38 = tpu.memref_slice %arg7[%dma_start3A_36, %dma_start3A_37] : memref<80x125xi32, #tpu.memory_space<vmem>> -> memref<1x125xi32, #tpu.memory_space<vmem>>
    %dma_start3A_39 = tpu.memref_squeeze %dma_start3A_38 : memref<1x125xi32, #tpu.memory_space<vmem>> -> memref<125xi32, #tpu.memory_space<vmem>>
    %dma_start3A_40 = arith.constant 0 : i32
    %dma_start3A_41 = arith.constant 0 : i32
    %dma_start3A_42 = tpu.memref_slice %arg2[%dma_start3A_40, %dma_start3A_41] : memref<10000x64xf32, #tpu.memory_space<hbm>> -> memref<10000x64xf32, #tpu.memory_space<hbm>>
    tpu.enqueue_indirect_dma source(%dma_start3A_42 : memref<10000x64xf32, #tpu.memory_space<hbm>>) target(%arg13 : memref<125x64xf32, #tpu.memory_space<vmem>>) offsets(%dma_start3A_39 : memref<125xi32, #tpu.memory_space<vmem>>) semaphore(%arg18 : memref<!tpu.dma_semaphore, #tpu.memory_space<semaphore_mem>>)
    %add3A_43 = arith.constant 1 : i32
    %add3A_44 = arith.addi %mul3A_4, %add3A_43 : i32
    %dma_start3A_45 = arith.constant 0 : i32
    %dma_start3A_46 = tpu.memref_slice %arg4[%add3A_44, %dma_start3A_45] : memref<2560x125xi32, #tpu.memory_space<hbm>> -> memref<1x125xi32, #tpu.memory_space<hbm>>
    %dma_start3A_47 = tpu.memref_squeeze %dma_start3A_46 : memref<1x125xi32, #tpu.memory_space<hbm>> -> memref<125xi32, #tpu.memory_space<hbm>>
    %dma_start3A_48 = arith.constant 0 : i32
    %dma_start3A_49 = tpu.memref_slice %arg4[%add3A_44, %dma_start3A_48] : memref<2560x125xi32, #tpu.memory_space<hbm>> -> memref<1x125xi32, #tpu.memory_space<hbm>>
    %dma_start3A_50 = tpu.memref_squeeze %dma_start3A_49 : memref<1x125xi32, #tpu.memory_space<hbm>> -> memref<125xi32, #tpu.memory_space<hbm>>
    tpu.enqueue_dma source(%dma_start3A_50 : memref<125xi32, #tpu.memory_space<hbm>>) target(%arg9 : memref<125xi32, #tpu.memory_space<vmem>>) target_semaphore(%arg24 : memref<!tpu.dma_semaphore, #tpu.memory_space<semaphore_mem>>)
    %dma_start3A_51 = arith.constant 1 : i32
    %dma_start3A_52 = arith.constant 0 : i32
    %dma_start3A_53 = tpu.memref_slice %arg7[%dma_start3A_51, %dma_start3A_52] : memref<80x125xi32, #tpu.memory_space<vmem>> -> memref<1x125xi32, #tpu.memory_space<vmem>>
    %dma_start3A_54 = tpu.memref_squeeze %dma_start3A_53 : memref<1x125xi32, #tpu.memory_space<vmem>> -> memref<125xi32, #tpu.memory_space<vmem>>
    %dma_start3A_55 = arith.constant 0 : i32
    %dma_start3A_56 = arith.constant 0 : i32
    %dma_start3A_57 = tpu.memref_slice %arg2[%dma_start3A_55, %dma_start3A_56] : memref<10000x64xf32, #tpu.memory_space<hbm>> -> memref<10000x64xf32, #tpu.memory_space<hbm>>
    tpu.enqueue_indirect_dma source(%dma_start3A_57 : memref<10000x64xf32, #tpu.memory_space<hbm>>) target(%arg14 : memref<125x64xf32, #tpu.memory_space<vmem>>) offsets(%dma_start3A_54 : memref<125xi32, #tpu.memory_space<vmem>>) semaphore(%arg19 : memref<!tpu.dma_semaphore, #tpu.memory_space<semaphore_mem>>)
    %add3A_58 = arith.constant 2 : i32
    %add3A_59 = arith.addi %mul3A_4, %add3A_58 : i32
    %dma_start3A_60 = arith.constant 0 : i32
    %dma_start3A_61 = tpu.memref_slice %arg4[%add3A_59, %dma_start3A_60] : memref<2560x125xi32, #tpu.memory_space<hbm>> -> memref<1x125xi32, #tpu.memory_space<hbm>>
    %dma_start3A_62 = tpu.memref_squeeze %dma_start3A_61 : memref<1x125xi32, #tpu.memory_space<hbm>> -> memref<125xi32, #tpu.memory_space<hbm>>
    %dma_start3A_63 = arith.constant 0 : i32
    %dma_start3A_64 = tpu.memref_slice %arg4[%add3A_59, %dma_start3A_63] : memref<2560x125xi32, #tpu.memory_space<hbm>> -> memref<1x125xi32, #tpu.memory_space<hbm>>
    %dma_start3A_65 = tpu.memref_squeeze %dma_start3A_64 : memref<1x125xi32, #tpu.memory_space<hbm>> -> memref<125xi32, #tpu.memory_space<hbm>>
    tpu.enqueue_dma source(%dma_start3A_65 : memref<125xi32, #tpu.memory_space<hbm>>) target(%arg10 : memref<125xi32, #tpu.memory_space<vmem>>) target_semaphore(%arg25 : memref<!tpu.dma_semaphore, #tpu.memory_space<semaphore_mem>>)
    %dma_start3A_66 = arith.constant 2 : i32
    %dma_start3A_67 = arith.constant 0 : i32
    %dma_start3A_68 = tpu.memref_slice %arg7[%dma_start3A_66, %dma_start3A_67] : memref<80x125xi32, #tpu.memory_space<vmem>> -> memref<1x125xi32, #tpu.memory_space<vmem>>
    %dma_start3A_69 = tpu.memref_squeeze %dma_start3A_68 : memref<1x125xi32, #tpu.memory_space<vmem>> -> memref<125xi32, #tpu.memory_space<vmem>>
    %dma_start3A_70 = arith.constant 0 : i32
    %dma_start3A_71 = arith.constant 0 : i32
    %dma_start3A_72 = tpu.memref_slice %arg2[%dma_start3A_70, %dma_start3A_71] : memref<10000x64xf32, #tpu.memory_space<hbm>> -> memref<10000x64xf32, #tpu.memory_space<hbm>>
    tpu.enqueue_indirect_dma source(%dma_start3A_72 : memref<10000x64xf32, #tpu.memory_space<hbm>>) target(%arg15 : memref<125x64xf32, #tpu.memory_space<vmem>>) offsets(%dma_start3A_69 : memref<125xi32, #tpu.memory_space<vmem>>) semaphore(%arg20 : memref<!tpu.dma_semaphore, #tpu.memory_space<semaphore_mem>>)
    %add3A_73 = arith.constant 3 : i32
    %add3A_74 = arith.addi %mul3A_4, %add3A_73 : i32
    %dma_start3A_75 = arith.constant 0 : i32
    %dma_start3A_76 = tpu.memref_slice %arg4[%add3A_74, %dma_start3A_75] : memref<2560x125xi32, #tpu.memory_space<hbm>> -> memref<1x125xi32, #tpu.memory_space<hbm>>
    %dma_start3A_77 = tpu.memref_squeeze %dma_start3A_76 : memref<1x125xi32, #tpu.memory_space<hbm>> -> memref<125xi32, #tpu.memory_space<hbm>>
    %dma_start3A_78 = arith.constant 0 : i32
    %dma_start3A_79 = tpu.memref_slice %arg4[%add3A_74, %dma_start3A_78] : memref<2560x125xi32, #tpu.memory_space<hbm>> -> memref<1x125xi32, #tpu.memory_space<hbm>>
    %dma_start3A_80 = tpu.memref_squeeze %dma_start3A_79 : memref<1x125xi32, #tpu.memory_space<hbm>> -> memref<125xi32, #tpu.memory_space<hbm>>
    tpu.enqueue_dma source(%dma_start3A_80 : memref<125xi32, #tpu.memory_space<hbm>>) target(%arg11 : memref<125xi32, #tpu.memory_space<vmem>>) target_semaphore(%arg26 : memref<!tpu.dma_semaphore, #tpu.memory_space<semaphore_mem>>)
    %dma_start3A_81 = arith.constant 3 : i32
    %dma_start3A_82 = arith.constant 0 : i32
    %dma_start3A_83 = tpu.memref_slice %arg7[%dma_start3A_81, %dma_start3A_82] : memref<80x125xi32, #tpu.memory_space<vmem>> -> memref<1x125xi32, #tpu.memory_space<vmem>>
    %dma_start3A_84 = tpu.memref_squeeze %dma_start3A_83 : memref<1x125xi32, #tpu.memory_space<vmem>> -> memref<125xi32, #tpu.memory_space<vmem>>
    %dma_start3A_85 = arith.constant 0 : i32
    %dma_start3A_86 = arith.constant 0 : i32
    %dma_start3A_87 = tpu.memref_slice %arg2[%dma_start3A_85, %dma_start3A_86] : memref<10000x64xf32, #tpu.memory_space<hbm>> -> memref<10000x64xf32, #tpu.memory_space<hbm>>
    tpu.enqueue_indirect_dma source(%dma_start3A_87 : memref<10000x64xf32, #tpu.memory_space<hbm>>) target(%arg16 : memref<125x64xf32, #tpu.memory_space<vmem>>) offsets(%dma_start3A_84 : memref<125xi32, #tpu.memory_space<vmem>>) semaphore(%arg21 : memref<!tpu.dma_semaphore, #tpu.memory_space<semaphore_mem>>)
    %barrier3A = arith.constant 0 : index
    tpu.barrier barrier_id(%barrier3A)
    %scan3A_88 = arith.constant 0 : i32
    %scan3A_89 = arith.constant 0 : i32
    %scan3A_90 = arith.constant 16 : i32
    %scan3A_91 = arith.addi %scan3A_89, %scan3A_90 : i32
    %scan3A_92 = arith.constant 1 : i32
    scf.for %scan3A_95 = %scan3A_89 to %scan3A_91 step %scan3A_92  : i32 {
      %mul3A_96 = arith.constant 5 : i32
      %mul3A_97 = arith.muli %scan3A_95, %mul3A_96 : i32
      %add3A_98 = arith.constant 0 : i32
      %add3A_99 = arith.addi %mul3A_97, %add3A_98 : i32
      %add3A_100 = arith.constant 5 : i32
      %add3A_101 = arith.addi %add3A_99, %add3A_100 : i32
      %sub3A = arith.constant 1 : i32
      %sub3A_102 = arith.subi %add3A_101, %sub3A : i32
      %lt3A = arith.constant 80 : i32
      %lt3A_103 = arith.cmpi slt, %sub3A_102, %lt3A : i32
      %convert_element_type3A = arith.extui %lt3A_103 : i1 to i32
      %cond3A = arith.constant 0 : i32
      %cond3A_104 = arith.cmpi ne, %convert_element_type3A, %cond3A : i32
      scf.if %cond3A_104 {
        %add3A_182 = arith.addi %mul3A_4, %add3A_99 : i32
        %add3A_183 = arith.constant 5 : i32
        %add3A_184 = arith.addi %add3A_182, %add3A_183 : i32
        %sub3A_185 = arith.constant 1 : i32
        %sub3A_186 = arith.subi %add3A_184, %sub3A_185 : i32
        %dma_start3A_187 = arith.constant 0 : i32
        %dma_start3A_188 = tpu.memref_slice %arg4[%sub3A_186, %dma_start3A_187] : memref<2560x125xi32, #tpu.memory_space<hbm>> -> memref<1x125xi32, #tpu.memory_space<hbm>>
        %dma_start3A_189 = tpu.memref_squeeze %dma_start3A_188 : memref<1x125xi32, #tpu.memory_space<hbm>> -> memref<125xi32, #tpu.memory_space<hbm>>
        %dma_start3A_190 = arith.constant 0 : i32
        %dma_start3A_191 = tpu.memref_slice %arg4[%sub3A_186, %dma_start3A_190] : memref<2560x125xi32, #tpu.memory_space<hbm>> -> memref<1x125xi32, #tpu.memory_space<hbm>>
        %dma_start3A_192 = tpu.memref_squeeze %dma_start3A_191 : memref<1x125xi32, #tpu.memory_space<hbm>> -> memref<125xi32, #tpu.memory_space<hbm>>
        tpu.enqueue_dma source(%dma_start3A_192 : memref<125xi32, #tpu.memory_space<hbm>>) target(%arg12 : memref<125xi32, #tpu.memory_space<vmem>>) target_semaphore(%arg27 : memref<!tpu.dma_semaphore, #tpu.memory_space<semaphore_mem>>)
        %add3A_193 = arith.constant 5 : i32
        %add3A_194 = arith.addi %add3A_99, %add3A_193 : i32
        %sub3A_195 = arith.constant 1 : i32
        %sub3A_196 = arith.subi %add3A_194, %sub3A_195 : i32
        %dma_start3A_197 = arith.constant 0 : i32
        %dma_start3A_198 = tpu.memref_slice %arg7[%sub3A_196, %dma_start3A_197] : memref<80x125xi32, #tpu.memory_space<vmem>> -> memref<1x125xi32, #tpu.memory_space<vmem>>
        %dma_start3A_199 = tpu.memref_squeeze %dma_start3A_198 : memref<1x125xi32, #tpu.memory_space<vmem>> -> memref<125xi32, #tpu.memory_space<vmem>>
        %dma_start3A_200 = arith.constant 0 : i32
        %dma_start3A_201 = arith.constant 0 : i32
        %dma_start3A_202 = tpu.memref_slice %arg2[%dma_start3A_200, %dma_start3A_201] : memref<10000x64xf32, #tpu.memory_space<hbm>> -> memref<10000x64xf32, #tpu.memory_space<hbm>>
        tpu.enqueue_indirect_dma source(%dma_start3A_202 : memref<10000x64xf32, #tpu.memory_space<hbm>>) target(%arg17 : memref<125x64xf32, #tpu.memory_space<vmem>>) offsets(%dma_start3A_199 : memref<125xi32, #tpu.memory_space<vmem>>) semaphore(%arg22 : memref<!tpu.dma_semaphore, #tpu.memory_space<semaphore_mem>>)
      } else {
      }
      %lt3A_105 = arith.constant 80 : i32
      %lt3A_106 = arith.cmpi slt, %add3A_99, %lt3A_105 : i32
      %convert_element_type3A_107 = arith.extui %lt3A_106 : i1 to i32
      %cond3A_108 = arith.constant 0 : i32
      %cond3A_109 = arith.cmpi ne, %convert_element_type3A_107, %cond3A_108 : i32
      scf.if %cond3A_109 {
        %dma_wait3A_182 = arith.constant 0 : i32
        %dma_wait3A_183 = tpu.memref_slice %arg7[%add3A_99, %dma_wait3A_182] : memref<80x125xi32, #tpu.memory_space<vmem>> -> memref<1x125xi32, #tpu.memory_space<vmem>>
        %dma_wait3A_184 = tpu.memref_squeeze %dma_wait3A_183 : memref<1x125xi32, #tpu.memory_space<vmem>> -> memref<125xi32, #tpu.memory_space<vmem>>
        %dma_wait3A_185 = arith.constant 0 : i32
        %dma_wait3A_186 = arith.constant 0 : i32
        %dma_wait3A_187 = tpu.memref_slice %arg2[%dma_wait3A_185, %dma_wait3A_186] : memref<10000x64xf32, #tpu.memory_space<hbm>> -> memref<10000x64xf32, #tpu.memory_space<hbm>>
        tpu.wait_indirect_dma semaphore(%arg18 : memref<!tpu.dma_semaphore, #tpu.memory_space<semaphore_mem>>) src(%dma_wait3A_187 : memref<10000x64xf32, #tpu.memory_space<hbm>>) dst(%arg13 : memref<125x64xf32, #tpu.memory_space<vmem>>)
        %add3A_188 = arith.addi %mul3A_4, %add3A_99 : i32
        %dma_wait3A_189 = arith.constant 0 : i32
        %dma_wait3A_190 = tpu.memref_slice %arg4[%add3A_188, %dma_wait3A_189] : memref<2560x125xi32, #tpu.memory_space<hbm>> -> memref<1x125xi32, #tpu.memory_space<hbm>>
        %dma_wait3A_191 = tpu.memref_squeeze %dma_wait3A_190 : memref<1x125xi32, #tpu.memory_space<hbm>> -> memref<125xi32, #tpu.memory_space<hbm>>
        %dma_wait3A_192 = arith.constant 0 : i32
        %dma_wait3A_193 = tpu.memref_slice %arg4[%add3A_188, %dma_wait3A_192] : memref<2560x125xi32, #tpu.memory_space<hbm>> -> memref<1x125xi32, #tpu.memory_space<hbm>>
        %dma_wait3A_194 = tpu.memref_squeeze %dma_wait3A_193 : memref<1x125xi32, #tpu.memory_space<hbm>> -> memref<125xi32, #tpu.memory_space<hbm>>
        tpu.wait_dma2 semaphore(%arg23 : memref<!tpu.dma_semaphore, #tpu.memory_space<semaphore_mem>>) src(%dma_wait3A_194 : memref<125xi32, #tpu.memory_space<hbm>>) dst(%arg8 : memref<125xi32, #tpu.memory_space<vmem>>)
        "tpu.region"() ({
          %run_scoped3A = tpu.sem_alloc : memref<!tpu.dma_semaphore, #tpu.memory_space<semaphore_mem>>
          %dma_start3A_195 = arith.constant 0 : i32
          %dma_start3A_196 = arith.constant 0 : i32
          %dma_start3A_197 = tpu.memref_slice %arg6[%dma_start3A_195, %dma_start3A_196] : memref<10240x64xf32, #tpu.memory_space<vmem_shared>> -> memref<10240x64xf32, #tpu.memory_space<vmem_shared>>
          tpu.enqueue_indirect_dma source(%arg13 : memref<125x64xf32, #tpu.memory_space<vmem>>) target(%dma_start3A_197 : memref<10240x64xf32, #tpu.memory_space<vmem_shared>>) offsets(%arg8 : memref<125xi32, #tpu.memory_space<vmem>>) semaphore(%run_scoped3A : memref<!tpu.dma_semaphore, #tpu.memory_space<semaphore_mem>>) {add = true}
          %dma_wait3A_198 = arith.constant 0 : i32
          %dma_wait3A_199 = arith.constant 0 : i32
          %dma_wait3A_200 = tpu.memref_slice %arg6[%dma_wait3A_198, %dma_wait3A_199] : memref<10240x64xf32, #tpu.memory_space<vmem_shared>> -> memref<10240x64xf32, #tpu.memory_space<vmem_shared>>
          tpu.wait_indirect_dma semaphore(%run_scoped3A : memref<!tpu.dma_semaphore, #tpu.memory_space<semaphore_mem>>) src(%arg13 : memref<125x64xf32, #tpu.memory_space<vmem>>) dst(%dma_wait3A_200 : memref<10240x64xf32, #tpu.memory_space<vmem_shared>>)
          tpu.yield
        }) : () -> ()
      } else {
      }
      %mul3A_110 = arith.constant 5 : i32
      %mul3A_111 = arith.muli %scan3A_95, %mul3A_110 : i32
      %add3A_112 = arith.constant 1 : i32
      %add3A_113 = arith.addi %mul3A_111, %add3A_112 : i32
      %add3A_114 = arith.constant 5 : i32
      %add3A_115 = arith.addi %add3A_113, %add3A_114 : i32
      %sub3A_116 = arith.constant 1 : i32
      %sub3A_117 = arith.subi %add3A_115, %sub3A_116 : i32
      %lt3A_118 = arith.constant 80 : i32
      %lt3A_119 = arith.cmpi slt, %sub3A_117, %lt3A_118 : i32
      %convert_element_type3A_120 = arith.extui %lt3A_119 : i1 to i32
      %cond3A_121 = arith.constant 0 : i32
      %cond3A_122 = arith.cmpi ne, %convert_element_type3A_120, %cond3A_121 : i32
      scf.if %cond3A_122 {
        %add3A_182 = arith.addi %mul3A_4, %add3A_113 : i32
        %add3A_183 = arith.constant 5 : i32
        %add3A_184 = arith.addi %add3A_182, %add3A_183 : i32
        %sub3A_185 = arith.constant 1 : i32
        %sub3A_186 = arith.subi %add3A_184, %sub3A_185 : i32
        %dma_start3A_187 = arith.constant 0 : i32
        %dma_start3A_188 = tpu.memref_slice %arg4[%sub3A_186, %dma_start3A_187] : memref<2560x125xi32, #tpu.memory_space<hbm>> -> memref<1x125xi32, #tpu.memory_space<hbm>>
        %dma_start3A_189 = tpu.memref_squeeze %dma_start3A_188 : memref<1x125xi32, #tpu.memory_space<hbm>> -> memref<125xi32, #tpu.memory_space<hbm>>
        %dma_start3A_190 = arith.constant 0 : i32
        %dma_start3A_191 = tpu.memref_slice %arg4[%sub3A_186, %dma_start3A_190] : memref<2560x125xi32, #tpu.memory_space<hbm>> -> memref<1x125xi32, #tpu.memory_space<hbm>>
        %dma_start3A_192 = tpu.memref_squeeze %dma_start3A_191 : memref<1x125xi32, #tpu.memory_space<hbm>> -> memref<125xi32, #tpu.memory_space<hbm>>
        tpu.enqueue_dma source(%dma_start3A_192 : memref<125xi32, #tpu.memory_space<hbm>>) target(%arg8 : memref<125xi32, #tpu.memory_space<vmem>>) target_semaphore(%arg23 : memref<!tpu.dma_semaphore, #tpu.memory_space<semaphore_mem>>)
        %add3A_193 = arith.constant 5 : i32
        %add3A_194 = arith.addi %add3A_113, %add3A_193 : i32
        %sub3A_195 = arith.constant 1 : i32
        %sub3A_196 = arith.subi %add3A_194, %sub3A_195 : i32
        %dma_start3A_197 = arith.constant 0 : i32
        %dma_start3A_198 = tpu.memref_slice %arg7[%sub3A_196, %dma_start3A_197] : memref<80x125xi32, #tpu.memory_space<vmem>> -> memref<1x125xi32, #tpu.memory_space<vmem>>
        %dma_start3A_199 = tpu.memref_squeeze %dma_start3A_198 : memref<1x125xi32, #tpu.memory_space<vmem>> -> memref<125xi32, #tpu.memory_space<vmem>>
        %dma_start3A_200 = arith.constant 0 : i32
        %dma_start3A_201 = arith.constant 0 : i32
        %dma_start3A_202 = tpu.memref_slice %arg2[%dma_start3A_200, %dma_start3A_201] : memref<10000x64xf32, #tpu.memory_space<hbm>> -> memref<10000x64xf32, #tpu.memory_space<hbm>>
        tpu.enqueue_indirect_dma source(%dma_start3A_202 : memref<10000x64xf32, #tpu.memory_space<hbm>>) target(%arg13 : memref<125x64xf32, #tpu.memory_space<vmem>>) offsets(%dma_start3A_199 : memref<125xi32, #tpu.memory_space<vmem>>) semaphore(%arg18 : memref<!tpu.dma_semaphore, #tpu.memory_space<semaphore_mem>>)
      } else {
      }
      %lt3A_123 = arith.constant 80 : i32
      %lt3A_124 = arith.cmpi slt, %add3A_113, %lt3A_123 : i32
      %convert_element_type3A_125 = arith.extui %lt3A_124 : i1 to i32
      %cond3A_126 = arith.constant 0 : i32
      %cond3A_127 = arith.cmpi ne, %convert_element_type3A_125, %cond3A_126 : i32
      scf.if %cond3A_127 {
        %dma_wait3A_182 = arith.constant 0 : i32
        %dma_wait3A_183 = tpu.memref_slice %arg7[%add3A_113, %dma_wait3A_182] : memref<80x125xi32, #tpu.memory_space<vmem>> -> memref<1x125xi32, #tpu.memory_space<vmem>>
        %dma_wait3A_184 = tpu.memref_squeeze %dma_wait3A_183 : memref<1x125xi32, #tpu.memory_space<vmem>> -> memref<125xi32, #tpu.memory_space<vmem>>
        %dma_wait3A_185 = arith.constant 0 : i32
        %dma_wait3A_186 = arith.constant 0 : i32
        %dma_wait3A_187 = tpu.memref_slice %arg2[%dma_wait3A_185, %dma_wait3A_186] : memref<10000x64xf32, #tpu.memory_space<hbm>> -> memref<10000x64xf32, #tpu.memory_space<hbm>>
        tpu.wait_indirect_dma semaphore(%arg19 : memref<!tpu.dma_semaphore, #tpu.memory_space<semaphore_mem>>) src(%dma_wait3A_187 : memref<10000x64xf32, #tpu.memory_space<hbm>>) dst(%arg14 : memref<125x64xf32, #tpu.memory_space<vmem>>)
        %add3A_188 = arith.addi %mul3A_4, %add3A_113 : i32
        %dma_wait3A_189 = arith.constant 0 : i32
        %dma_wait3A_190 = tpu.memref_slice %arg4[%add3A_188, %dma_wait3A_189] : memref<2560x125xi32, #tpu.memory_space<hbm>> -> memref<1x125xi32, #tpu.memory_space<hbm>>
        %dma_wait3A_191 = tpu.memref_squeeze %dma_wait3A_190 : memref<1x125xi32, #tpu.memory_space<hbm>> -> memref<125xi32, #tpu.memory_space<hbm>>
        %dma_wait3A_192 = arith.constant 0 : i32
        %dma_wait3A_193 = tpu.memref_slice %arg4[%add3A_188, %dma_wait3A_192] : memref<2560x125xi32, #tpu.memory_space<hbm>> -> memref<1x125xi32, #tpu.memory_space<hbm>>
        %dma_wait3A_194 = tpu.memref_squeeze %dma_wait3A_193 : memref<1x125xi32, #tpu.memory_space<hbm>> -> memref<125xi32, #tpu.memory_space<hbm>>
        tpu.wait_dma2 semaphore(%arg24 : memref<!tpu.dma_semaphore, #tpu.memory_space<semaphore_mem>>) src(%dma_wait3A_194 : memref<125xi32, #tpu.memory_space<hbm>>) dst(%arg9 : memref<125xi32, #tpu.memory_space<vmem>>)
        "tpu.region"() ({
          %run_scoped3A = tpu.sem_alloc : memref<!tpu.dma_semaphore, #tpu.memory_space<semaphore_mem>>
          %dma_start3A_195 = arith.constant 0 : i32
          %dma_start3A_196 = arith.constant 0 : i32
          %dma_start3A_197 = tpu.memref_slice %arg6[%dma_start3A_195, %dma_start3A_196] : memref<10240x64xf32, #tpu.memory_space<vmem_shared>> -> memref<10240x64xf32, #tpu.memory_space<vmem_shared>>
          tpu.enqueue_indirect_dma source(%arg14 : memref<125x64xf32, #tpu.memory_space<vmem>>) target(%dma_start3A_197 : memref<10240x64xf32, #tpu.memory_space<vmem_shared>>) offsets(%arg9 : memref<125xi32, #tpu.memory_space<vmem>>) semaphore(%run_scoped3A : memref<!tpu.dma_semaphore, #tpu.memory_space<semaphore_mem>>) {add = true}
          %dma_wait3A_198 = arith.constant 0 : i32
          %dma_wait3A_199 = arith.constant 0 : i32
          %dma_wait3A_200 = tpu.memref_slice %arg6[%dma_wait3A_198, %dma_wait3A_199] : memref<10240x64xf32, #tpu.memory_space<vmem_shared>> -> memref<10240x64xf32, #tpu.memory_space<vmem_shared>>
          tpu.wait_indirect_dma semaphore(%run_scoped3A : memref<!tpu.dma_semaphore, #tpu.memory_space<semaphore_mem>>) src(%arg14 : memref<125x64xf32, #tpu.memory_space<vmem>>) dst(%dma_wait3A_200 : memref<10240x64xf32, #tpu.memory_space<vmem_shared>>)
          tpu.yield
        }) : () -> ()
      } else {
      }
      %mul3A_128 = arith.constant 5 : i32
      %mul3A_129 = arith.muli %scan3A_95, %mul3A_128 : i32
      %add3A_130 = arith.constant 2 : i32
      %add3A_131 = arith.addi %mul3A_129, %add3A_130 : i32
      %add3A_132 = arith.constant 5 : i32
      %add3A_133 = arith.addi %add3A_131, %add3A_132 : i32
      %sub3A_134 = arith.constant 1 : i32
      %sub3A_135 = arith.subi %add3A_133, %sub3A_134 : i32
      %lt3A_136 = arith.constant 80 : i32
      %lt3A_137 = arith.cmpi slt, %sub3A_135, %lt3A_136 : i32
      %convert_element_type3A_138 = arith.extui %lt3A_137 : i1 to i32
      %cond3A_139 = arith.constant 0 : i32
      %cond3A_140 = arith.cmpi ne, %convert_element_type3A_138, %cond3A_139 : i32
      scf.if %cond3A_140 {
        %add3A_182 = arith.addi %mul3A_4, %add3A_131 : i32
        %add3A_183 = arith.constant 5 : i32
        %add3A_184 = arith.addi %add3A_182, %add3A_183 : i32
        %sub3A_185 = arith.constant 1 : i32
        %sub3A_186 = arith.subi %add3A_184, %sub3A_185 : i32
        %dma_start3A_187 = arith.constant 0 : i32
        %dma_start3A_188 = tpu.memref_slice %arg4[%sub3A_186, %dma_start3A_187] : memref<2560x125xi32, #tpu.memory_space<hbm>> -> memref<1x125xi32, #tpu.memory_space<hbm>>
        %dma_start3A_189 = tpu.memref_squeeze %dma_start3A_188 : memref<1x125xi32, #tpu.memory_space<hbm>> -> memref<125xi32, #tpu.memory_space<hbm>>
        %dma_start3A_190 = arith.constant 0 : i32
        %dma_start3A_191 = tpu.memref_slice %arg4[%sub3A_186, %dma_start3A_190] : memref<2560x125xi32, #tpu.memory_space<hbm>> -> memref<1x125xi32, #tpu.memory_space<hbm>>
        %dma_start3A_192 = tpu.memref_squeeze %dma_start3A_191 : memref<1x125xi32, #tpu.memory_space<hbm>> -> memref<125xi32, #tpu.memory_space<hbm>>
        tpu.enqueue_dma source(%dma_start3A_192 : memref<125xi32, #tpu.memory_space<hbm>>) target(%arg9 : memref<125xi32, #tpu.memory_space<vmem>>) target_semaphore(%arg24 : memref<!tpu.dma_semaphore, #tpu.memory_space<semaphore_mem>>)
        %add3A_193 = arith.constant 5 : i32
        %add3A_194 = arith.addi %add3A_131, %add3A_193 : i32
        %sub3A_195 = arith.constant 1 : i32
        %sub3A_196 = arith.subi %add3A_194, %sub3A_195 : i32
        %dma_start3A_197 = arith.constant 0 : i32
        %dma_start3A_198 = tpu.memref_slice %arg7[%sub3A_196, %dma_start3A_197] : memref<80x125xi32, #tpu.memory_space<vmem>> -> memref<1x125xi32, #tpu.memory_space<vmem>>
        %dma_start3A_199 = tpu.memref_squeeze %dma_start3A_198 : memref<1x125xi32, #tpu.memory_space<vmem>> -> memref<125xi32, #tpu.memory_space<vmem>>
        %dma_start3A_200 = arith.constant 0 : i32
        %dma_start3A_201 = arith.constant 0 : i32
        %dma_start3A_202 = tpu.memref_slice %arg2[%dma_start3A_200, %dma_start3A_201] : memref<10000x64xf32, #tpu.memory_space<hbm>> -> memref<10000x64xf32, #tpu.memory_space<hbm>>
        tpu.enqueue_indirect_dma source(%dma_start3A_202 : memref<10000x64xf32, #tpu.memory_space<hbm>>) target(%arg14 : memref<125x64xf32, #tpu.memory_space<vmem>>) offsets(%dma_start3A_199 : memref<125xi32, #tpu.memory_space<vmem>>) semaphore(%arg19 : memref<!tpu.dma_semaphore, #tpu.memory_space<semaphore_mem>>)
      } else {
      }
      %lt3A_141 = arith.constant 80 : i32
      %lt3A_142 = arith.cmpi slt, %add3A_131, %lt3A_141 : i32
      %convert_element_type3A_143 = arith.extui %lt3A_142 : i1 to i32
      %cond3A_144 = arith.constant 0 : i32
      %cond3A_145 = arith.cmpi ne, %convert_element_type3A_143, %cond3A_144 : i32
      scf.if %cond3A_145 {
        %dma_wait3A_182 = arith.constant 0 : i32
        %dma_wait3A_183 = tpu.memref_slice %arg7[%add3A_131, %dma_wait3A_182] : memref<80x125xi32, #tpu.memory_space<vmem>> -> memref<1x125xi32, #tpu.memory_space<vmem>>
        %dma_wait3A_184 = tpu.memref_squeeze %dma_wait3A_183 : memref<1x125xi32, #tpu.memory_space<vmem>> -> memref<125xi32, #tpu.memory_space<vmem>>
        %dma_wait3A_185 = arith.constant 0 : i32
        %dma_wait3A_186 = arith.constant 0 : i32
        %dma_wait3A_187 = tpu.memref_slice %arg2[%dma_wait3A_185, %dma_wait3A_186] : memref<10000x64xf32, #tpu.memory_space<hbm>> -> memref<10000x64xf32, #tpu.memory_space<hbm>>
        tpu.wait_indirect_dma semaphore(%arg20 : memref<!tpu.dma_semaphore, #tpu.memory_space<semaphore_mem>>) src(%dma_wait3A_187 : memref<10000x64xf32, #tpu.memory_space<hbm>>) dst(%arg15 : memref<125x64xf32, #tpu.memory_space<vmem>>)
        %add3A_188 = arith.addi %mul3A_4, %add3A_131 : i32
        %dma_wait3A_189 = arith.constant 0 : i32
        %dma_wait3A_190 = tpu.memref_slice %arg4[%add3A_188, %dma_wait3A_189] : memref<2560x125xi32, #tpu.memory_space<hbm>> -> memref<1x125xi32, #tpu.memory_space<hbm>>
        %dma_wait3A_191 = tpu.memref_squeeze %dma_wait3A_190 : memref<1x125xi32, #tpu.memory_space<hbm>> -> memref<125xi32, #tpu.memory_space<hbm>>
        %dma_wait3A_192 = arith.constant 0 : i32
        %dma_wait3A_193 = tpu.memref_slice %arg4[%add3A_188, %dma_wait3A_192] : memref<2560x125xi32, #tpu.memory_space<hbm>> -> memref<1x125xi32, #tpu.memory_space<hbm>>
        %dma_wait3A_194 = tpu.memref_squeeze %dma_wait3A_193 : memref<1x125xi32, #tpu.memory_space<hbm>> -> memref<125xi32, #tpu.memory_space<hbm>>
        tpu.wait_dma2 semaphore(%arg25 : memref<!tpu.dma_semaphore, #tpu.memory_space<semaphore_mem>>) src(%dma_wait3A_194 : memref<125xi32, #tpu.memory_space<hbm>>) dst(%arg10 : memref<125xi32, #tpu.memory_space<vmem>>)
        "tpu.region"() ({
          %run_scoped3A = tpu.sem_alloc : memref<!tpu.dma_semaphore, #tpu.memory_space<semaphore_mem>>
          %dma_start3A_195 = arith.constant 0 : i32
          %dma_start3A_196 = arith.constant 0 : i32
          %dma_start3A_197 = tpu.memref_slice %arg6[%dma_start3A_195, %dma_start3A_196] : memref<10240x64xf32, #tpu.memory_space<vmem_shared>> -> memref<10240x64xf32, #tpu.memory_space<vmem_shared>>
          tpu.enqueue_indirect_dma source(%arg15 : memref<125x64xf32, #tpu.memory_space<vmem>>) target(%dma_start3A_197 : memref<10240x64xf32, #tpu.memory_space<vmem_shared>>) offsets(%arg10 : memref<125xi32, #tpu.memory_space<vmem>>) semaphore(%run_scoped3A : memref<!tpu.dma_semaphore, #tpu.memory_space<semaphore_mem>>) {add = true}
          %dma_wait3A_198 = arith.constant 0 : i32
          %dma_wait3A_199 = arith.constant 0 : i32
          %dma_wait3A_200 = tpu.memref_slice %arg6[%dma_wait3A_198, %dma_wait3A_199] : memref<10240x64xf32, #tpu.memory_space<vmem_shared>> -> memref<10240x64xf32, #tpu.memory_space<vmem_shared>>
          tpu.wait_indirect_dma semaphore(%run_scoped3A : memref<!tpu.dma_semaphore, #tpu.memory_space<semaphore_mem>>) src(%arg15 : memref<125x64xf32, #tpu.memory_space<vmem>>) dst(%dma_wait3A_200 : memref<10240x64xf32, #tpu.memory_space<vmem_shared>>)
          tpu.yield
        }) : () -> ()
      } else {
      }
      %mul3A_146 = arith.constant 5 : i32
      %mul3A_147 = arith.muli %scan3A_95, %mul3A_146 : i32
      %add3A_148 = arith.constant 3 : i32
      %add3A_149 = arith.addi %mul3A_147, %add3A_148 : i32
      %add3A_150 = arith.constant 5 : i32
      %add3A_151 = arith.addi %add3A_149, %add3A_150 : i32
      %sub3A_152 = arith.constant 1 : i32
      %sub3A_153 = arith.subi %add3A_151, %sub3A_152 : i32
      %lt3A_154 = arith.constant 80 : i32
      %lt3A_155 = arith.cmpi slt, %sub3A_153, %lt3A_154 : i32
      %convert_element_type3A_156 = arith.extui %lt3A_155 : i1 to i32
      %cond3A_157 = arith.constant 0 : i32
      %cond3A_158 = arith.cmpi ne, %convert_element_type3A_156, %cond3A_157 : i32
      scf.if %cond3A_158 {
        %add3A_182 = arith.addi %mul3A_4, %add3A_149 : i32
        %add3A_183 = arith.constant 5 : i32
        %add3A_184 = arith.addi %add3A_182, %add3A_183 : i32
        %sub3A_185 = arith.constant 1 : i32
        %sub3A_186 = arith.subi %add3A_184, %sub3A_185 : i32
        %dma_start3A_187 = arith.constant 0 : i32
        %dma_start3A_188 = tpu.memref_slice %arg4[%sub3A_186, %dma_start3A_187] : memref<2560x125xi32, #tpu.memory_space<hbm>> -> memref<1x125xi32, #tpu.memory_space<hbm>>
        %dma_start3A_189 = tpu.memref_squeeze %dma_start3A_188 : memref<1x125xi32, #tpu.memory_space<hbm>> -> memref<125xi32, #tpu.memory_space<hbm>>
        %dma_start3A_190 = arith.constant 0 : i32
        %dma_start3A_191 = tpu.memref_slice %arg4[%sub3A_186, %dma_start3A_190] : memref<2560x125xi32, #tpu.memory_space<hbm>> -> memref<1x125xi32, #tpu.memory_space<hbm>>
        %dma_start3A_192 = tpu.memref_squeeze %dma_start3A_191 : memref<1x125xi32, #tpu.memory_space<hbm>> -> memref<125xi32, #tpu.memory_space<hbm>>
        tpu.enqueue_dma source(%dma_start3A_192 : memref<125xi32, #tpu.memory_space<hbm>>) target(%arg10 : memref<125xi32, #tpu.memory_space<vmem>>) target_semaphore(%arg25 : memref<!tpu.dma_semaphore, #tpu.memory_space<semaphore_mem>>)
        %add3A_193 = arith.constant 5 : i32
        %add3A_194 = arith.addi %add3A_149, %add3A_193 : i32
        %sub3A_195 = arith.constant 1 : i32
        %sub3A_196 = arith.subi %add3A_194, %sub3A_195 : i32
        %dma_start3A_197 = arith.constant 0 : i32
        %dma_start3A_198 = tpu.memref_slice %arg7[%sub3A_196, %dma_start3A_197] : memref<80x125xi32, #tpu.memory_space<vmem>> -> memref<1x125xi32, #tpu.memory_space<vmem>>
        %dma_start3A_199 = tpu.memref_squeeze %dma_start3A_198 : memref<1x125xi32, #tpu.memory_space<vmem>> -> memref<125xi32, #tpu.memory_space<vmem>>
        %dma_start3A_200 = arith.constant 0 : i32
        %dma_start3A_201 = arith.constant 0 : i32
        %dma_start3A_202 = tpu.memref_slice %arg2[%dma_start3A_200, %dma_start3A_201] : memref<10000x64xf32, #tpu.memory_space<hbm>> -> memref<10000x64xf32, #tpu.memory_space<hbm>>
        tpu.enqueue_indirect_dma source(%dma_start3A_202 : memref<10000x64xf32, #tpu.memory_space<hbm>>) target(%arg15 : memref<125x64xf32, #tpu.memory_space<vmem>>) offsets(%dma_start3A_199 : memref<125xi32, #tpu.memory_space<vmem>>) semaphore(%arg20 : memref<!tpu.dma_semaphore, #tpu.memory_space<semaphore_mem>>)
      } else {
      }
      %lt3A_159 = arith.constant 80 : i32
      %lt3A_160 = arith.cmpi slt, %add3A_149, %lt3A_159 : i32
      %convert_element_type3A_161 = arith.extui %lt3A_160 : i1 to i32
      %cond3A_162 = arith.constant 0 : i32
      %cond3A_163 = arith.cmpi ne, %convert_element_type3A_161, %cond3A_162 : i32
      scf.if %cond3A_163 {
        %dma_wait3A_182 = arith.constant 0 : i32
        %dma_wait3A_183 = tpu.memref_slice %arg7[%add3A_149, %dma_wait3A_182] : memref<80x125xi32, #tpu.memory_space<vmem>> -> memref<1x125xi32, #tpu.memory_space<vmem>>
        %dma_wait3A_184 = tpu.memref_squeeze %dma_wait3A_183 : memref<1x125xi32, #tpu.memory_space<vmem>> -> memref<125xi32, #tpu.memory_space<vmem>>
        %dma_wait3A_185 = arith.constant 0 : i32
        %dma_wait3A_186 = arith.constant 0 : i32
        %dma_wait3A_187 = tpu.memref_slice %arg2[%dma_wait3A_185, %dma_wait3A_186] : memref<10000x64xf32, #tpu.memory_space<hbm>> -> memref<10000x64xf32, #tpu.memory_space<hbm>>
        tpu.wait_indirect_dma semaphore(%arg21 : memref<!tpu.dma_semaphore, #tpu.memory_space<semaphore_mem>>) src(%dma_wait3A_187 : memref<10000x64xf32, #tpu.memory_space<hbm>>) dst(%arg16 : memref<125x64xf32, #tpu.memory_space<vmem>>)
        %add3A_188 = arith.addi %mul3A_4, %add3A_149 : i32
        %dma_wait3A_189 = arith.constant 0 : i32
        %dma_wait3A_190 = tpu.memref_slice %arg4[%add3A_188, %dma_wait3A_189] : memref<2560x125xi32, #tpu.memory_space<hbm>> -> memref<1x125xi32, #tpu.memory_space<hbm>>
        %dma_wait3A_191 = tpu.memref_squeeze %dma_wait3A_190 : memref<1x125xi32, #tpu.memory_space<hbm>> -> memref<125xi32, #tpu.memory_space<hbm>>
        %dma_wait3A_192 = arith.constant 0 : i32
        %dma_wait3A_193 = tpu.memref_slice %arg4[%add3A_188, %dma_wait3A_192] : memref<2560x125xi32, #tpu.memory_space<hbm>> -> memref<1x125xi32, #tpu.memory_space<hbm>>
        %dma_wait3A_194 = tpu.memref_squeeze %dma_wait3A_193 : memref<1x125xi32, #tpu.memory_space<hbm>> -> memref<125xi32, #tpu.memory_space<hbm>>
        tpu.wait_dma2 semaphore(%arg26 : memref<!tpu.dma_semaphore, #tpu.memory_space<semaphore_mem>>) src(%dma_wait3A_194 : memref<125xi32, #tpu.memory_space<hbm>>) dst(%arg11 : memref<125xi32, #tpu.memory_space<vmem>>)
        "tpu.region"() ({
          %run_scoped3A = tpu.sem_alloc : memref<!tpu.dma_semaphore, #tpu.memory_space<semaphore_mem>>
          %dma_start3A_195 = arith.constant 0 : i32
          %dma_start3A_196 = arith.constant 0 : i32
          %dma_start3A_197 = tpu.memref_slice %arg6[%dma_start3A_195, %dma_start3A_196] : memref<10240x64xf32, #tpu.memory_space<vmem_shared>> -> memref<10240x64xf32, #tpu.memory_space<vmem_shared>>
          tpu.enqueue_indirect_dma source(%arg16 : memref<125x64xf32, #tpu.memory_space<vmem>>) target(%dma_start3A_197 : memref<10240x64xf32, #tpu.memory_space<vmem_shared>>) offsets(%arg11 : memref<125xi32, #tpu.memory_space<vmem>>) semaphore(%run_scoped3A : memref<!tpu.dma_semaphore, #tpu.memory_space<semaphore_mem>>) {add = true}
          %dma_wait3A_198 = arith.constant 0 : i32
          %dma_wait3A_199 = arith.constant 0 : i32
          %dma_wait3A_200 = tpu.memref_slice %arg6[%dma_wait3A_198, %dma_wait3A_199] : memref<10240x64xf32, #tpu.memory_space<vmem_shared>> -> memref<10240x64xf32, #tpu.memory_space<vmem_shared>>
          tpu.wait_indirect_dma semaphore(%run_scoped3A : memref<!tpu.dma_semaphore, #tpu.memory_space<semaphore_mem>>) src(%arg16 : memref<125x64xf32, #tpu.memory_space<vmem>>) dst(%dma_wait3A_200 : memref<10240x64xf32, #tpu.memory_space<vmem_shared>>)
          tpu.yield
        }) : () -> ()
      } else {
      }
      %mul3A_164 = arith.constant 5 : i32
      %mul3A_165 = arith.muli %scan3A_95, %mul3A_164 : i32
      %add3A_166 = arith.constant 4 : i32
      %add3A_167 = arith.addi %mul3A_165, %add3A_166 : i32
      %add3A_168 = arith.constant 5 : i32
      %add3A_169 = arith.addi %add3A_167, %add3A_168 : i32
      %sub3A_170 = arith.constant 1 : i32
      %sub3A_171 = arith.subi %add3A_169, %sub3A_170 : i32
      %lt3A_172 = arith.constant 80 : i32
      %lt3A_173 = arith.cmpi slt, %sub3A_171, %lt3A_172 : i32
      %convert_element_type3A_174 = arith.extui %lt3A_173 : i1 to i32
      %cond3A_175 = arith.constant 0 : i32
      %cond3A_176 = arith.cmpi ne, %convert_element_type3A_174, %cond3A_175 : i32
      scf.if %cond3A_176 {
        %add3A_182 = arith.addi %mul3A_4, %add3A_167 : i32
        %add3A_183 = arith.constant 5 : i32
        %add3A_184 = arith.addi %add3A_182, %add3A_183 : i32
        %sub3A_185 = arith.constant 1 : i32
        %sub3A_186 = arith.subi %add3A_184, %sub3A_185 : i32
        %dma_start3A_187 = arith.constant 0 : i32
        %dma_start3A_188 = tpu.memref_slice %arg4[%sub3A_186, %dma_start3A_187] : memref<2560x125xi32, #tpu.memory_space<hbm>> -> memref<1x125xi32, #tpu.memory_space<hbm>>
        %dma_start3A_189 = tpu.memref_squeeze %dma_start3A_188 : memref<1x125xi32, #tpu.memory_space<hbm>> -> memref<125xi32, #tpu.memory_space<hbm>>
        %dma_start3A_190 = arith.constant 0 : i32
        %dma_start3A_191 = tpu.memref_slice %arg4[%sub3A_186, %dma_start3A_190] : memref<2560x125xi32, #tpu.memory_space<hbm>> -> memref<1x125xi32, #tpu.memory_space<hbm>>
        %dma_start3A_192 = tpu.memref_squeeze %dma_start3A_191 : memref<1x125xi32, #tpu.memory_space<hbm>> -> memref<125xi32, #tpu.memory_space<hbm>>
        tpu.enqueue_dma source(%dma_start3A_192 : memref<125xi32, #tpu.memory_space<hbm>>) target(%arg11 : memref<125xi32, #tpu.memory_space<vmem>>) target_semaphore(%arg26 : memref<!tpu.dma_semaphore, #tpu.memory_space<semaphore_mem>>)
        %add3A_193 = arith.constant 5 : i32
        %add3A_194 = arith.addi %add3A_167, %add3A_193 : i32
        %sub3A_195 = arith.constant 1 : i32
        %sub3A_196 = arith.subi %add3A_194, %sub3A_195 : i32
        %dma_start3A_197 = arith.constant 0 : i32
        %dma_start3A_198 = tpu.memref_slice %arg7[%sub3A_196, %dma_start3A_197] : memref<80x125xi32, #tpu.memory_space<vmem>> -> memref<1x125xi32, #tpu.memory_space<vmem>>
        %dma_start3A_199 = tpu.memref_squeeze %dma_start3A_198 : memref<1x125xi32, #tpu.memory_space<vmem>> -> memref<125xi32, #tpu.memory_space<vmem>>
        %dma_start3A_200 = arith.constant 0 : i32
        %dma_start3A_201 = arith.constant 0 : i32
        %dma_start3A_202 = tpu.memref_slice %arg2[%dma_start3A_200, %dma_start3A_201] : memref<10000x64xf32, #tpu.memory_space<hbm>> -> memref<10000x64xf32, #tpu.memory_space<hbm>>
        tpu.enqueue_indirect_dma source(%dma_start3A_202 : memref<10000x64xf32, #tpu.memory_space<hbm>>) target(%arg16 : memref<125x64xf32, #tpu.memory_space<vmem>>) offsets(%dma_start3A_199 : memref<125xi32, #tpu.memory_space<vmem>>) semaphore(%arg21 : memref<!tpu.dma_semaphore, #tpu.memory_space<semaphore_mem>>)
      } else {
      }
      %lt3A_177 = arith.constant 80 : i32
      %lt3A_178 = arith.cmpi slt, %add3A_167, %lt3A_177 : i32
      %convert_element_type3A_179 = arith.extui %lt3A_178 : i1 to i32
      %cond3A_180 = arith.constant 0 : i32
      %cond3A_181 = arith.cmpi ne, %convert_element_type3A_179, %cond3A_180 : i32
      scf.if %cond3A_181 {
        %dma_wait3A_182 = arith.constant 0 : i32
        %dma_wait3A_183 = tpu.memref_slice %arg7[%add3A_167, %dma_wait3A_182] : memref<80x125xi32, #tpu.memory_space<vmem>> -> memref<1x125xi32, #tpu.memory_space<vmem>>
        %dma_wait3A_184 = tpu.memref_squeeze %dma_wait3A_183 : memref<1x125xi32, #tpu.memory_space<vmem>> -> memref<125xi32, #tpu.memory_space<vmem>>
        %dma_wait3A_185 = arith.constant 0 : i32
        %dma_wait3A_186 = arith.constant 0 : i32
        %dma_wait3A_187 = tpu.memref_slice %arg2[%dma_wait3A_185, %dma_wait3A_186] : memref<10000x64xf32, #tpu.memory_space<hbm>> -> memref<10000x64xf32, #tpu.memory_space<hbm>>
        tpu.wait_indirect_dma semaphore(%arg22 : memref<!tpu.dma_semaphore, #tpu.memory_space<semaphore_mem>>) src(%dma_wait3A_187 : memref<10000x64xf32, #tpu.memory_space<hbm>>) dst(%arg17 : memref<125x64xf32, #tpu.memory_space<vmem>>)
        %add3A_188 = arith.addi %mul3A_4, %add3A_167 : i32
        %dma_wait3A_189 = arith.constant 0 : i32
        %dma_wait3A_190 = tpu.memref_slice %arg4[%add3A_188, %dma_wait3A_189] : memref<2560x125xi32, #tpu.memory_space<hbm>> -> memref<1x125xi32, #tpu.memory_space<hbm>>
        %dma_wait3A_191 = tpu.memref_squeeze %dma_wait3A_190 : memref<1x125xi32, #tpu.memory_space<hbm>> -> memref<125xi32, #tpu.memory_space<hbm>>
        %dma_wait3A_192 = arith.constant 0 : i32
        %dma_wait3A_193 = tpu.memref_slice %arg4[%add3A_188, %dma_wait3A_192] : memref<2560x125xi32, #tpu.memory_space<hbm>> -> memref<1x125xi32, #tpu.memory_space<hbm>>
        %dma_wait3A_194 = tpu.memref_squeeze %dma_wait3A_193 : memref<1x125xi32, #tpu.memory_space<hbm>> -> memref<125xi32, #tpu.memory_space<hbm>>
        tpu.wait_dma2 semaphore(%arg27 : memref<!tpu.dma_semaphore, #tpu.memory_space<semaphore_mem>>) src(%dma_wait3A_194 : memref<125xi32, #tpu.memory_space<hbm>>) dst(%arg12 : memref<125xi32, #tpu.memory_space<vmem>>)
        "tpu.region"() ({
          %run_scoped3A = tpu.sem_alloc : memref<!tpu.dma_semaphore, #tpu.memory_space<semaphore_mem>>
          %dma_start3A_195 = arith.constant 0 : i32
          %dma_start3A_196 = arith.constant 0 : i32
          %dma_start3A_197 = tpu.memref_slice %arg6[%dma_start3A_195, %dma_start3A_196] : memref<10240x64xf32, #tpu.memory_space<vmem_shared>> -> memref<10240x64xf32, #tpu.memory_space<vmem_shared>>
          tpu.enqueue_indirect_dma source(%arg17 : memref<125x64xf32, #tpu.memory_space<vmem>>) target(%dma_start3A_197 : memref<10240x64xf32, #tpu.memory_space<vmem_shared>>) offsets(%arg12 : memref<125xi32, #tpu.memory_space<vmem>>) semaphore(%run_scoped3A : memref<!tpu.dma_semaphore, #tpu.memory_space<semaphore_mem>>) {add = true}
          %dma_wait3A_198 = arith.constant 0 : i32
          %dma_wait3A_199 = arith.constant 0 : i32
          %dma_wait3A_200 = tpu.memref_slice %arg6[%dma_wait3A_198, %dma_wait3A_199] : memref<10240x64xf32, #tpu.memory_space<vmem_shared>> -> memref<10240x64xf32, #tpu.memory_space<vmem_shared>>
          tpu.wait_indirect_dma semaphore(%run_scoped3A : memref<!tpu.dma_semaphore, #tpu.memory_space<semaphore_mem>>) src(%arg17 : memref<125x64xf32, #tpu.memory_space<vmem>>) dst(%dma_wait3A_200 : memref<10240x64xf32, #tpu.memory_space<vmem_shared>>)
          tpu.yield
        }) : () -> ()
      } else {
      }
    }
    %scan3A_93 = arith.constant 16 : i32
    %barrier3A_94 = arith.constant 0 : index
    tpu.barrier barrier_id(%barrier3A_94)
    "tpu.region"() ({
      %run_scoped3A = tpu.sem_alloc : memref<!tpu.dma_semaphore, #tpu.memory_space<semaphore_mem>>
      %dma_start3A_95 = arith.constant 0 : i32
      %dma_start3A_96 = tpu.memref_slice %arg5[%arg0, %mul3A_2, %dma_start3A_95] : memref<2x10240x64xf32, #tpu.memory_space<hbm>> -> memref<1x640x64xf32, #tpu.memory_space<hbm>>
      %dma_start3A_97 = tpu.memref_squeeze %dma_start3A_96 : memref<1x640x64xf32, #tpu.memory_space<hbm>> -> memref<640x64xf32, #tpu.memory_space<hbm>>
      %dma_start3A_98 = arith.constant 0 : i32
      %dma_start3A_99 = tpu.memref_slice %arg6[%mul3A_2, %dma_start3A_98] : memref<10240x64xf32, #tpu.memory_space<vmem_shared>> -> memref<640x64xf32, #tpu.memory_space<vmem_shared>>
      tpu.enqueue_dma source(%dma_start3A_99 : memref<640x64xf32, #tpu.memory_space<vmem_shared>>) target(%dma_start3A_97 : memref<640x64xf32, #tpu.memory_space<hbm>>) target_semaphore(%run_scoped3A : memref<!tpu.dma_semaphore, #tpu.memory_space<semaphore_mem>>)
      %dma_wait3A_100 = arith.constant 0 : i32
      %dma_wait3A_101 = tpu.memref_slice %arg5[%arg0, %mul3A_2, %dma_wait3A_100] : memref<2x10240x64xf32, #tpu.memory_space<hbm>> -> memref<1x640x64xf32, #tpu.memory_space<hbm>>
      %dma_wait3A_102 = tpu.memref_squeeze %dma_wait3A_101 : memref<1x640x64xf32, #tpu.memory_space<hbm>> -> memref<640x64xf32, #tpu.memory_space<hbm>>
      %dma_wait3A_103 = arith.constant 0 : i32
      %dma_wait3A_104 = tpu.memref_slice %arg6[%mul3A_2, %dma_wait3A_103] : memref<10240x64xf32, #tpu.memory_space<vmem_shared>> -> memref<640x64xf32, #tpu.memory_space<vmem_shared>>
      tpu.wait_dma2 semaphore(%run_scoped3A : memref<!tpu.dma_semaphore, #tpu.memory_space<semaphore_mem>>) src(%dma_wait3A_104 : memref<640x64xf32, #tpu.memory_space<vmem_shared>>) dst(%dma_wait3A_102 : memref<640x64xf32, #tpu.memory_space<hbm>>)
      tpu.yield
    }) : () -> ()
    return
  }
}

#map = affine_map<(d0, d1) -> (0, 0)>
#map1 = affine_map<(d0, d1) -> (0, 0, 0)>
module attributes {stable_mosaic.version = 14 : i64} {
  func.func @k(%arg0: i32, %arg1: i32, %arg2: memref<10000x128xf32, #tpu.memory_space<hbm>>, %arg3: memref<3200x100xi32, #tpu.memory_space<hbm>>, %arg4: memref<3200x100xi32, #tpu.memory_space<hbm>>, %arg5: memref<2x10240x128xf32, #tpu.memory_space<hbm>>, %arg6: memref<10240x128xf32, #tpu.memory_space<vmem_shared>>, %arg7: memref<100x100xi32, #tpu.memory_space<vmem>>, %arg8: memref<100xi32, #tpu.memory_space<vmem>>, %arg9: memref<100xi32, #tpu.memory_space<vmem>>, %arg10: memref<100xi32, #tpu.memory_space<vmem>>, %arg11: memref<100x128xf32, #tpu.memory_space<vmem>>, %arg12: memref<100x128xf32, #tpu.memory_space<vmem>>, %arg13: memref<100x128xf32, #tpu.memory_space<vmem>>, %arg14: memref<!tpu.dma_semaphore, #tpu.memory_space<semaphore_mem>>, %arg15: memref<!tpu.dma_semaphore, #tpu.memory_space<semaphore_mem>>, %arg16: memref<!tpu.dma_semaphore, #tpu.memory_space<semaphore_mem>>, %arg17: memref<!tpu.dma_semaphore, #tpu.memory_space<semaphore_mem>>, %arg18: memref<!tpu.dma_semaphore, #tpu.memory_space<semaphore_mem>>, %arg19: memref<!tpu.dma_semaphore, #tpu.memory_space<semaphore_mem>>) attributes {dimension_semantics = [#tpu.dimension_semantics<core_parallel>, #tpu.dimension_semantics<subcore_parallel>], iteration_bounds = array<i64: 2, 16>, scalar_prefetch = 0 : i64, scratch_operands = 14 : i64, tpu.core_type = #tpu.core_type<sc_vector_subcore>, window_params = [{transform_indices = #map}, {transform_indices = #map}, {transform_indices = #map}, {transform_indices = #map1}]} {
    %mul3A = arith.constant 2 : i32
    %mul3A_0 = arith.muli %arg1, %mul3A : i32
    %add3A = arith.addi %mul3A_0, %arg0 : i32
    %mul3A_1 = arith.constant 640 : i32
    %mul3A_2 = arith.muli %arg1, %mul3A_1 : i32
    %mul3A_3 = arith.constant 100 : i32
    %mul3A_4 = arith.muli %add3A, %mul3A_3 : i32
    %dma_start3A = arith.constant 0 : i32
    %dma_start3A_5 = tpu.memref_slice %arg3[%mul3A_4, %dma_start3A] : memref<3200x100xi32, #tpu.memory_space<hbm>> -> memref<100x100xi32, #tpu.memory_space<hbm>>
    %dma_start3A_6 = arith.constant 0 : i32
    %dma_start3A_7 = tpu.memref_slice %arg3[%mul3A_4, %dma_start3A_6] : memref<3200x100xi32, #tpu.memory_space<hbm>> -> memref<100x100xi32, #tpu.memory_space<hbm>>
    tpu.enqueue_dma source(%dma_start3A_7 : memref<100x100xi32, #tpu.memory_space<hbm>>) target(%arg7 : memref<100x100xi32, #tpu.memory_space<vmem>>) target_semaphore(%arg14 : memref<!tpu.dma_semaphore, #tpu.memory_space<semaphore_mem>>)
    %scan3A = arith.constant 0 : i32
    %scan3A_8 = arith.constant 0 : i32
    %scan3A_9 = arith.constant 100 : i32
    %scan3A_10 = arith.addi %scan3A_8, %scan3A_9 : i32
    %scan3A_11 = arith.constant 1 : i32
    scf.for %scan3A_67 = %scan3A_8 to %scan3A_10 step %scan3A_11  : i32 {
      %broadcast_in_dim3A = arith.constant 0.000000e+00 : f32
      %broadcast_in_dim3A_68 = vector.broadcast %broadcast_in_dim3A : f32 to vector<16xf32>
      %swap3A = arith.index_cast %scan3A_67 : i32 to index
      %swap3A_69 = arith.constant 0 : index
      %swap3A_70 = tpu.vector_load %arg11[%swap3A, %swap3A_69] {strides = array<i32>} : memref<100x128xf32, #tpu.memory_space<vmem>>, vector<1x16xf32>,
      %swap3A_71 = vector.shape_cast %swap3A_70 : vector<1x16xf32> to vector<16xf32>
      %swap3A_72 = vector.shape_cast %broadcast_in_dim3A_68 : vector<16xf32> to vector<1x16xf32>
      tpu.vector_store %arg11[%swap3A, %swap3A_69], %swap3A_72 {strides = array<i32>} : memref<100x128xf32, #tpu.memory_space<vmem>>, vector<1x16xf32>,
      %broadcast_in_dim3A_73 = arith.constant 0.000000e+00 : f32
      %broadcast_in_dim3A_74 = vector.broadcast %broadcast_in_dim3A_73 : f32 to vector<16xf32>
      %swap3A_75 = arith.index_cast %scan3A_67 : i32 to index
      %swap3A_76 = arith.constant 16 : index
      %swap3A_77 = tpu.vector_load %arg11[%swap3A_75, %swap3A_76] {strides = array<i32>} : memref<100x128xf32, #tpu.memory_space<vmem>>, vector<1x16xf32>,
      %swap3A_78 = vector.shape_cast %swap3A_77 : vector<1x16xf32> to vector<16xf32>
      %swap3A_79 = vector.shape_cast %broadcast_in_dim3A_74 : vector<16xf32> to vector<1x16xf32>
      tpu.vector_store %arg11[%swap3A_75, %swap3A_76], %swap3A_79 {strides = array<i32>} : memref<100x128xf32, #tpu.memory_space<vmem>>, vector<1x16xf32>,
      %broadcast_in_dim3A_80 = arith.constant 0.000000e+00 : f32
      %broadcast_in_dim3A_81 = vector.broadcast %broadcast_in_dim3A_80 : f32 to vector<16xf32>
      %swap3A_82 = arith.index_cast %scan3A_67 : i32 to index
      %swap3A_83 = arith.constant 32 : index
      %swap3A_84 = tpu.vector_load %arg11[%swap3A_82, %swap3A_83] {strides = array<i32>} : memref<100x128xf32, #tpu.memory_space<vmem>>, vector<1x16xf32>,
      %swap3A_85 = vector.shape_cast %swap3A_84 : vector<1x16xf32> to vector<16xf32>
      %swap3A_86 = vector.shape_cast %broadcast_in_dim3A_81 : vector<16xf32> to vector<1x16xf32>
      tpu.vector_store %arg11[%swap3A_82, %swap3A_83], %swap3A_86 {strides = array<i32>} : memref<100x128xf32, #tpu.memory_space<vmem>>, vector<1x16xf32>,
      %broadcast_in_dim3A_87 = arith.constant 0.000000e+00 : f32
      %broadcast_in_dim3A_88 = vector.broadcast %broadcast_in_dim3A_87 : f32 to vector<16xf32>
      %swap3A_89 = arith.index_cast %scan3A_67 : i32 to index
      %swap3A_90 = arith.constant 48 : index
      %swap3A_91 = tpu.vector_load %arg11[%swap3A_89, %swap3A_90] {strides = array<i32>} : memref<100x128xf32, #tpu.memory_space<vmem>>, vector<1x16xf32>,
      %swap3A_92 = vector.shape_cast %swap3A_91 : vector<1x16xf32> to vector<16xf32>
      %swap3A_93 = vector.shape_cast %broadcast_in_dim3A_88 : vector<16xf32> to vector<1x16xf32>
      tpu.vector_store %arg11[%swap3A_89, %swap3A_90], %swap3A_93 {strides = array<i32>} : memref<100x128xf32, #tpu.memory_space<vmem>>, vector<1x16xf32>,
      %broadcast_in_dim3A_94 = arith.constant 0.000000e+00 : f32
      %broadcast_in_dim3A_95 = vector.broadcast %broadcast_in_dim3A_94 : f32 to vector<16xf32>
      %swap3A_96 = arith.index_cast %scan3A_67 : i32 to index
      %swap3A_97 = arith.constant 64 : index
      %swap3A_98 = tpu.vector_load %arg11[%swap3A_96, %swap3A_97] {strides = array<i32>} : memref<100x128xf32, #tpu.memory_space<vmem>>, vector<1x16xf32>,
      %swap3A_99 = vector.shape_cast %swap3A_98 : vector<1x16xf32> to vector<16xf32>
      %swap3A_100 = vector.shape_cast %broadcast_in_dim3A_95 : vector<16xf32> to vector<1x16xf32>
      tpu.vector_store %arg11[%swap3A_96, %swap3A_97], %swap3A_100 {strides = array<i32>} : memref<100x128xf32, #tpu.memory_space<vmem>>, vector<1x16xf32>,
      %broadcast_in_dim3A_101 = arith.constant 0.000000e+00 : f32
      %broadcast_in_dim3A_102 = vector.broadcast %broadcast_in_dim3A_101 : f32 to vector<16xf32>
      %swap3A_103 = arith.index_cast %scan3A_67 : i32 to index
      %swap3A_104 = arith.constant 80 : index
      %swap3A_105 = tpu.vector_load %arg11[%swap3A_103, %swap3A_104] {strides = array<i32>} : memref<100x128xf32, #tpu.memory_space<vmem>>, vector<1x16xf32>,
      %swap3A_106 = vector.shape_cast %swap3A_105 : vector<1x16xf32> to vector<16xf32>
      %swap3A_107 = vector.shape_cast %broadcast_in_dim3A_102 : vector<16xf32> to vector<1x16xf32>
      tpu.vector_store %arg11[%swap3A_103, %swap3A_104], %swap3A_107 {strides = array<i32>} : memref<100x128xf32, #tpu.memory_space<vmem>>, vector<1x16xf32>,
      %broadcast_in_dim3A_108 = arith.constant 0.000000e+00 : f32
      %broadcast_in_dim3A_109 = vector.broadcast %broadcast_in_dim3A_108 : f32 to vector<16xf32>
      %swap3A_110 = arith.index_cast %scan3A_67 : i32 to index
      %swap3A_111 = arith.constant 96 : index
      %swap3A_112 = tpu.vector_load %arg11[%swap3A_110, %swap3A_111] {strides = array<i32>} : memref<100x128xf32, #tpu.memory_space<vmem>>, vector<1x16xf32>,
      %swap3A_113 = vector.shape_cast %swap3A_112 : vector<1x16xf32> to vector<16xf32>
      %swap3A_114 = vector.shape_cast %broadcast_in_dim3A_109 : vector<16xf32> to vector<1x16xf32>
      tpu.vector_store %arg11[%swap3A_110, %swap3A_111], %swap3A_114 {strides = array<i32>} : memref<100x128xf32, #tpu.memory_space<vmem>>, vector<1x16xf32>,
      %broadcast_in_dim3A_115 = arith.constant 0.000000e+00 : f32
      %broadcast_in_dim3A_116 = vector.broadcast %broadcast_in_dim3A_115 : f32 to vector<16xf32>
      %swap3A_117 = arith.index_cast %scan3A_67 : i32 to index
      %swap3A_118 = arith.constant 112 : index
      %swap3A_119 = tpu.vector_load %arg11[%swap3A_117, %swap3A_118] {strides = array<i32>} : memref<100x128xf32, #tpu.memory_space<vmem>>, vector<1x16xf32>,
      %swap3A_120 = vector.shape_cast %swap3A_119 : vector<1x16xf32> to vector<16xf32>
      %swap3A_121 = vector.shape_cast %broadcast_in_dim3A_116 : vector<16xf32> to vector<1x16xf32>
      tpu.vector_store %arg11[%swap3A_117, %swap3A_118], %swap3A_121 {strides = array<i32>} : memref<100x128xf32, #tpu.memory_space<vmem>>, vector<1x16xf32>,
    }
    %scan3A_12 = arith.constant 100 : i32
    %add3A_13 = arith.constant 0 : i32
    %add3A_14 = arith.addi %mul3A_2, %add3A_13 : i32
    "tpu.region"() ({
      %run_scoped3A = tpu.sem_alloc : memref<!tpu.dma_semaphore, #tpu.memory_space<semaphore_mem>>
      %dma_start3A_67 = arith.constant 0 : i32
      %dma_start3A_68 = tpu.memref_slice %arg6[%add3A_14, %dma_start3A_67] : memref<10240x128xf32, #tpu.memory_space<vmem_shared>> -> memref<100x128xf32, #tpu.memory_space<vmem_shared>>
      %dma_start3A_69 = arith.constant 0 : i32
      %dma_start3A_70 = tpu.memref_slice %arg6[%add3A_14, %dma_start3A_69] : memref<10240x128xf32, #tpu.memory_space<vmem_shared>> -> memref<100x128xf32, #tpu.memory_space<vmem_shared>>
      tpu.enqueue_dma source(%arg11 : memref<100x128xf32, #tpu.memory_space<vmem>>) target(%dma_start3A_70 : memref<100x128xf32, #tpu.memory_space<vmem_shared>>) target_semaphore(%run_scoped3A : memref<!tpu.dma_semaphore, #tpu.memory_space<semaphore_mem>>)
      %dma_wait3A_71 = arith.constant 0 : i32
      %dma_wait3A_72 = tpu.memref_slice %arg6[%add3A_14, %dma_wait3A_71] : memref<10240x128xf32, #tpu.memory_space<vmem_shared>> -> memref<100x128xf32, #tpu.memory_space<vmem_shared>>
      %dma_wait3A_73 = arith.constant 0 : i32
      %dma_wait3A_74 = tpu.memref_slice %arg6[%add3A_14, %dma_wait3A_73] : memref<10240x128xf32, #tpu.memory_space<vmem_shared>> -> memref<100x128xf32, #tpu.memory_space<vmem_shared>>
      tpu.wait_dma2 semaphore(%run_scoped3A : memref<!tpu.dma_semaphore, #tpu.memory_space<semaphore_mem>>) src(%arg11 : memref<100x128xf32, #tpu.memory_space<vmem>>) dst(%dma_wait3A_74 : memref<100x128xf32, #tpu.memory_space<vmem_shared>>)
      tpu.yield
    }) : () -> ()
    %add3A_15 = arith.constant 100 : i32
    %add3A_16 = arith.addi %mul3A_2, %add3A_15 : i32
    "tpu.region"() ({
      %run_scoped3A = tpu.sem_alloc : memref<!tpu.dma_semaphore, #tpu.memory_space<semaphore_mem>>
      %dma_start3A_67 = arith.constant 0 : i32
      %dma_start3A_68 = tpu.memref_slice %arg6[%add3A_16, %dma_start3A_67] : memref<10240x128xf32, #tpu.memory_space<vmem_shared>> -> memref<100x128xf32, #tpu.memory_space<vmem_shared>>
      %dma_start3A_69 = arith.constant 0 : i32
      %dma_start3A_70 = tpu.memref_slice %arg6[%add3A_16, %dma_start3A_69] : memref<10240x128xf32, #tpu.memory_space<vmem_shared>> -> memref<100x128xf32, #tpu.memory_space<vmem_shared>>
      tpu.enqueue_dma source(%arg11 : memref<100x128xf32, #tpu.memory_space<vmem>>) target(%dma_start3A_70 : memref<100x128xf32, #tpu.memory_space<vmem_shared>>) target_semaphore(%run_scoped3A : memref<!tpu.dma_semaphore, #tpu.memory_space<semaphore_mem>>)
      %dma_wait3A_71 = arith.constant 0 : i32
      %dma_wait3A_72 = tpu.memref_slice %arg6[%add3A_16, %dma_wait3A_71] : memref<10240x128xf32, #tpu.memory_space<vmem_shared>> -> memref<100x128xf32, #tpu.memory_space<vmem_shared>>
      %dma_wait3A_73 = arith.constant 0 : i32
      %dma_wait3A_74 = tpu.memref_slice %arg6[%add3A_16, %dma_wait3A_73] : memref<10240x128xf32, #tpu.memory_space<vmem_shared>> -> memref<100x128xf32, #tpu.memory_space<vmem_shared>>
      tpu.wait_dma2 semaphore(%run_scoped3A : memref<!tpu.dma_semaphore, #tpu.memory_space<semaphore_mem>>) src(%arg11 : memref<100x128xf32, #tpu.memory_space<vmem>>) dst(%dma_wait3A_74 : memref<100x128xf32, #tpu.memory_space<vmem_shared>>)
      tpu.yield
    }) : () -> ()
    %add3A_17 = arith.constant 200 : i32
    %add3A_18 = arith.addi %mul3A_2, %add3A_17 : i32
    "tpu.region"() ({
      %run_scoped3A = tpu.sem_alloc : memref<!tpu.dma_semaphore, #tpu.memory_space<semaphore_mem>>
      %dma_start3A_67 = arith.constant 0 : i32
      %dma_start3A_68 = tpu.memref_slice %arg6[%add3A_18, %dma_start3A_67] : memref<10240x128xf32, #tpu.memory_space<vmem_shared>> -> memref<100x128xf32, #tpu.memory_space<vmem_shared>>
      %dma_start3A_69 = arith.constant 0 : i32
      %dma_start3A_70 = tpu.memref_slice %arg6[%add3A_18, %dma_start3A_69] : memref<10240x128xf32, #tpu.memory_space<vmem_shared>> -> memref<100x128xf32, #tpu.memory_space<vmem_shared>>
      tpu.enqueue_dma source(%arg11 : memref<100x128xf32, #tpu.memory_space<vmem>>) target(%dma_start3A_70 : memref<100x128xf32, #tpu.memory_space<vmem_shared>>) target_semaphore(%run_scoped3A : memref<!tpu.dma_semaphore, #tpu.memory_space<semaphore_mem>>)
      %dma_wait3A_71 = arith.constant 0 : i32
      %dma_wait3A_72 = tpu.memref_slice %arg6[%add3A_18, %dma_wait3A_71] : memref<10240x128xf32, #tpu.memory_space<vmem_shared>> -> memref<100x128xf32, #tpu.memory_space<vmem_shared>>
      %dma_wait3A_73 = arith.constant 0 : i32
      %dma_wait3A_74 = tpu.memref_slice %arg6[%add3A_18, %dma_wait3A_73] : memref<10240x128xf32, #tpu.memory_space<vmem_shared>> -> memref<100x128xf32, #tpu.memory_space<vmem_shared>>
      tpu.wait_dma2 semaphore(%run_scoped3A : memref<!tpu.dma_semaphore, #tpu.memory_space<semaphore_mem>>) src(%arg11 : memref<100x128xf32, #tpu.memory_space<vmem>>) dst(%dma_wait3A_74 : memref<100x128xf32, #tpu.memory_space<vmem_shared>>)
      tpu.yield
    }) : () -> ()
    %add3A_19 = arith.constant 300 : i32
    %add3A_20 = arith.addi %mul3A_2, %add3A_19 : i32
    "tpu.region"() ({
      %run_scoped3A = tpu.sem_alloc : memref<!tpu.dma_semaphore, #tpu.memory_space<semaphore_mem>>
      %dma_start3A_67 = arith.constant 0 : i32
      %dma_start3A_68 = tpu.memref_slice %arg6[%add3A_20, %dma_start3A_67] : memref<10240x128xf32, #tpu.memory_space<vmem_shared>> -> memref<100x128xf32, #tpu.memory_space<vmem_shared>>
      %dma_start3A_69 = arith.constant 0 : i32
      %dma_start3A_70 = tpu.memref_slice %arg6[%add3A_20, %dma_start3A_69] : memref<10240x128xf32, #tpu.memory_space<vmem_shared>> -> memref<100x128xf32, #tpu.memory_space<vmem_shared>>
      tpu.enqueue_dma source(%arg11 : memref<100x128xf32, #tpu.memory_space<vmem>>) target(%dma_start3A_70 : memref<100x128xf32, #tpu.memory_space<vmem_shared>>) target_semaphore(%run_scoped3A : memref<!tpu.dma_semaphore, #tpu.memory_space<semaphore_mem>>)
      %dma_wait3A_71 = arith.constant 0 : i32
      %dma_wait3A_72 = tpu.memref_slice %arg6[%add3A_20, %dma_wait3A_71] : memref<10240x128xf32, #tpu.memory_space<vmem_shared>> -> memref<100x128xf32, #tpu.memory_space<vmem_shared>>
      %dma_wait3A_73 = arith.constant 0 : i32
      %dma_wait3A_74 = tpu.memref_slice %arg6[%add3A_20, %dma_wait3A_73] : memref<10240x128xf32, #tpu.memory_space<vmem_shared>> -> memref<100x128xf32, #tpu.memory_space<vmem_shared>>
      tpu.wait_dma2 semaphore(%run_scoped3A : memref<!tpu.dma_semaphore, #tpu.memory_space<semaphore_mem>>) src(%arg11 : memref<100x128xf32, #tpu.memory_space<vmem>>) dst(%dma_wait3A_74 : memref<100x128xf32, #tpu.memory_space<vmem_shared>>)
      tpu.yield
    }) : () -> ()
    %add3A_21 = arith.constant 400 : i32
    %add3A_22 = arith.addi %mul3A_2, %add3A_21 : i32
    "tpu.region"() ({
      %run_scoped3A = tpu.sem_alloc : memref<!tpu.dma_semaphore, #tpu.memory_space<semaphore_mem>>
      %dma_start3A_67 = arith.constant 0 : i32
      %dma_start3A_68 = tpu.memref_slice %arg6[%add3A_22, %dma_start3A_67] : memref<10240x128xf32, #tpu.memory_space<vmem_shared>> -> memref<100x128xf32, #tpu.memory_space<vmem_shared>>
      %dma_start3A_69 = arith.constant 0 : i32
      %dma_start3A_70 = tpu.memref_slice %arg6[%add3A_22, %dma_start3A_69] : memref<10240x128xf32, #tpu.memory_space<vmem_shared>> -> memref<100x128xf32, #tpu.memory_space<vmem_shared>>
      tpu.enqueue_dma source(%arg11 : memref<100x128xf32, #tpu.memory_space<vmem>>) target(%dma_start3A_70 : memref<100x128xf32, #tpu.memory_space<vmem_shared>>) target_semaphore(%run_scoped3A : memref<!tpu.dma_semaphore, #tpu.memory_space<semaphore_mem>>)
      %dma_wait3A_71 = arith.constant 0 : i32
      %dma_wait3A_72 = tpu.memref_slice %arg6[%add3A_22, %dma_wait3A_71] : memref<10240x128xf32, #tpu.memory_space<vmem_shared>> -> memref<100x128xf32, #tpu.memory_space<vmem_shared>>
      %dma_wait3A_73 = arith.constant 0 : i32
      %dma_wait3A_74 = tpu.memref_slice %arg6[%add3A_22, %dma_wait3A_73] : memref<10240x128xf32, #tpu.memory_space<vmem_shared>> -> memref<100x128xf32, #tpu.memory_space<vmem_shared>>
      tpu.wait_dma2 semaphore(%run_scoped3A : memref<!tpu.dma_semaphore, #tpu.memory_space<semaphore_mem>>) src(%arg11 : memref<100x128xf32, #tpu.memory_space<vmem>>) dst(%dma_wait3A_74 : memref<100x128xf32, #tpu.memory_space<vmem_shared>>)
      tpu.yield
    }) : () -> ()
    %add3A_23 = arith.constant 500 : i32
    %add3A_24 = arith.addi %mul3A_2, %add3A_23 : i32
    "tpu.region"() ({
      %run_scoped3A = tpu.sem_alloc : memref<!tpu.dma_semaphore, #tpu.memory_space<semaphore_mem>>
      %dma_start3A_67 = arith.constant 0 : i32
      %dma_start3A_68 = tpu.memref_slice %arg6[%add3A_24, %dma_start3A_67] : memref<10240x128xf32, #tpu.memory_space<vmem_shared>> -> memref<100x128xf32, #tpu.memory_space<vmem_shared>>
      %dma_start3A_69 = arith.constant 0 : i32
      %dma_start3A_70 = tpu.memref_slice %arg6[%add3A_24, %dma_start3A_69] : memref<10240x128xf32, #tpu.memory_space<vmem_shared>> -> memref<100x128xf32, #tpu.memory_space<vmem_shared>>
      tpu.enqueue_dma source(%arg11 : memref<100x128xf32, #tpu.memory_space<vmem>>) target(%dma_start3A_70 : memref<100x128xf32, #tpu.memory_space<vmem_shared>>) target_semaphore(%run_scoped3A : memref<!tpu.dma_semaphore, #tpu.memory_space<semaphore_mem>>)
      %dma_wait3A_71 = arith.constant 0 : i32
      %dma_wait3A_72 = tpu.memref_slice %arg6[%add3A_24, %dma_wait3A_71] : memref<10240x128xf32, #tpu.memory_space<vmem_shared>> -> memref<100x128xf32, #tpu.memory_space<vmem_shared>>
      %dma_wait3A_73 = arith.constant 0 : i32
      %dma_wait3A_74 = tpu.memref_slice %arg6[%add3A_24, %dma_wait3A_73] : memref<10240x128xf32, #tpu.memory_space<vmem_shared>> -> memref<100x128xf32, #tpu.memory_space<vmem_shared>>
      tpu.wait_dma2 semaphore(%run_scoped3A : memref<!tpu.dma_semaphore, #tpu.memory_space<semaphore_mem>>) src(%arg11 : memref<100x128xf32, #tpu.memory_space<vmem>>) dst(%dma_wait3A_74 : memref<100x128xf32, #tpu.memory_space<vmem_shared>>)
      tpu.yield
    }) : () -> ()
    %add3A_25 = arith.constant 600 : i32
    %add3A_26 = arith.addi %mul3A_2, %add3A_25 : i32
    "tpu.region"() ({
      %run_scoped3A = tpu.sem_alloc : memref<!tpu.dma_semaphore, #tpu.memory_space<semaphore_mem>>
      %dma_start3A_67 = arith.constant 0 : i32
      %dma_start3A_68 = arith.constant 0 : i32
      %dma_start3A_69 = tpu.memref_slice %arg11[%dma_start3A_67, %dma_start3A_68] : memref<100x128xf32, #tpu.memory_space<vmem>> -> memref<40x128xf32, #tpu.memory_space<vmem>>
      %dma_start3A_70 = arith.constant 0 : i32
      %dma_start3A_71 = tpu.memref_slice %arg6[%add3A_26, %dma_start3A_70] : memref<10240x128xf32, #tpu.memory_space<vmem_shared>> -> memref<40x128xf32, #tpu.memory_space<vmem_shared>>
      %dma_start3A_72 = arith.constant 0 : i32
      %dma_start3A_73 = tpu.memref_slice %arg6[%add3A_26, %dma_start3A_72] : memref<10240x128xf32, #tpu.memory_space<vmem_shared>> -> memref<40x128xf32, #tpu.memory_space<vmem_shared>>
      %dma_start3A_74 = arith.constant 0 : i32
      %dma_start3A_75 = arith.constant 0 : i32
      %dma_start3A_76 = tpu.memref_slice %arg11[%dma_start3A_74, %dma_start3A_75] : memref<100x128xf32, #tpu.memory_space<vmem>> -> memref<40x128xf32, #tpu.memory_space<vmem>>
      tpu.enqueue_dma source(%dma_start3A_76 : memref<40x128xf32, #tpu.memory_space<vmem>>) target(%dma_start3A_73 : memref<40x128xf32, #tpu.memory_space<vmem_shared>>) target_semaphore(%run_scoped3A : memref<!tpu.dma_semaphore, #tpu.memory_space<semaphore_mem>>)
      %dma_wait3A_77 = arith.constant 0 : i32
      %dma_wait3A_78 = arith.constant 0 : i32
      %dma_wait3A_79 = tpu.memref_slice %arg11[%dma_wait3A_77, %dma_wait3A_78] : memref<100x128xf32, #tpu.memory_space<vmem>> -> memref<40x128xf32, #tpu.memory_space<vmem>>
      %dma_wait3A_80 = arith.constant 0 : i32
      %dma_wait3A_81 = tpu.memref_slice %arg6[%add3A_26, %dma_wait3A_80] : memref<10240x128xf32, #tpu.memory_space<vmem_shared>> -> memref<40x128xf32, #tpu.memory_space<vmem_shared>>
      %dma_wait3A_82 = arith.constant 0 : i32
      %dma_wait3A_83 = tpu.memref_slice %arg6[%add3A_26, %dma_wait3A_82] : memref<10240x128xf32, #tpu.memory_space<vmem_shared>> -> memref<40x128xf32, #tpu.memory_space<vmem_shared>>
      %dma_wait3A_84 = arith.constant 0 : i32
      %dma_wait3A_85 = arith.constant 0 : i32
      %dma_wait3A_86 = tpu.memref_slice %arg11[%dma_wait3A_84, %dma_wait3A_85] : memref<100x128xf32, #tpu.memory_space<vmem>> -> memref<40x128xf32, #tpu.memory_space<vmem>>
      tpu.wait_dma2 semaphore(%run_scoped3A : memref<!tpu.dma_semaphore, #tpu.memory_space<semaphore_mem>>) src(%dma_wait3A_86 : memref<40x128xf32, #tpu.memory_space<vmem>>) dst(%dma_wait3A_83 : memref<40x128xf32, #tpu.memory_space<vmem_shared>>)
      tpu.yield
    }) : () -> ()
    %dma_wait3A = arith.constant 0 : i32
    %dma_wait3A_27 = tpu.memref_slice %arg3[%mul3A_4, %dma_wait3A] : memref<3200x100xi32, #tpu.memory_space<hbm>> -> memref<100x100xi32, #tpu.memory_space<hbm>>
    %dma_wait3A_28 = arith.constant 0 : i32
    %dma_wait3A_29 = tpu.memref_slice %arg3[%mul3A_4, %dma_wait3A_28] : memref<3200x100xi32, #tpu.memory_space<hbm>> -> memref<100x100xi32, #tpu.memory_space<hbm>>
    tpu.wait_dma2 semaphore(%arg14 : memref<!tpu.dma_semaphore, #tpu.memory_space<semaphore_mem>>) src(%dma_wait3A_29 : memref<100x100xi32, #tpu.memory_space<hbm>>) dst(%arg7 : memref<100x100xi32, #tpu.memory_space<vmem>>)
    %add3A_30 = arith.constant 0 : i32
    %add3A_31 = arith.addi %mul3A_4, %add3A_30 : i32
    %dma_start3A_32 = arith.constant 0 : i32
    %dma_start3A_33 = tpu.memref_slice %arg4[%add3A_31, %dma_start3A_32] : memref<3200x100xi32, #tpu.memory_space<hbm>> -> memref<1x100xi32, #tpu.memory_space<hbm>>
    %dma_start3A_34 = tpu.memref_squeeze %dma_start3A_33 : memref<1x100xi32, #tpu.memory_space<hbm>> -> memref<100xi32, #tpu.memory_space<hbm>>
    %dma_start3A_35 = arith.constant 0 : i32
    %dma_start3A_36 = tpu.memref_slice %arg4[%add3A_31, %dma_start3A_35] : memref<3200x100xi32, #tpu.memory_space<hbm>> -> memref<1x100xi32, #tpu.memory_space<hbm>>
    %dma_start3A_37 = tpu.memref_squeeze %dma_start3A_36 : memref<1x100xi32, #tpu.memory_space<hbm>> -> memref<100xi32, #tpu.memory_space<hbm>>
    tpu.enqueue_dma source(%dma_start3A_37 : memref<100xi32, #tpu.memory_space<hbm>>) target(%arg8 : memref<100xi32, #tpu.memory_space<vmem>>) target_semaphore(%arg17 : memref<!tpu.dma_semaphore, #tpu.memory_space<semaphore_mem>>)
    %dma_start3A_38 = arith.constant 0 : i32
    %dma_start3A_39 = arith.constant 0 : i32
    %dma_start3A_40 = tpu.memref_slice %arg7[%dma_start3A_38, %dma_start3A_39] : memref<100x100xi32, #tpu.memory_space<vmem>> -> memref<1x100xi32, #tpu.memory_space<vmem>>
    %dma_start3A_41 = tpu.memref_squeeze %dma_start3A_40 : memref<1x100xi32, #tpu.memory_space<vmem>> -> memref<100xi32, #tpu.memory_space<vmem>>
    %dma_start3A_42 = arith.constant 0 : i32
    %dma_start3A_43 = arith.constant 0 : i32
    %dma_start3A_44 = tpu.memref_slice %arg2[%dma_start3A_42, %dma_start3A_43] : memref<10000x128xf32, #tpu.memory_space<hbm>> -> memref<10000x128xf32, #tpu.memory_space<hbm>>
    tpu.enqueue_indirect_dma source(%dma_start3A_44 : memref<10000x128xf32, #tpu.memory_space<hbm>>) target(%arg11 : memref<100x128xf32, #tpu.memory_space<vmem>>) offsets(%dma_start3A_41 : memref<100xi32, #tpu.memory_space<vmem>>) semaphore(%arg14 : memref<!tpu.dma_semaphore, #tpu.memory_space<semaphore_mem>>)
    %add3A_45 = arith.constant 1 : i32
    %add3A_46 = arith.addi %mul3A_4, %add3A_45 : i32
    %dma_start3A_47 = arith.constant 0 : i32
    %dma_start3A_48 = tpu.memref_slice %arg4[%add3A_46, %dma_start3A_47] : memref<3200x100xi32, #tpu.memory_space<hbm>> -> memref<1x100xi32, #tpu.memory_space<hbm>>
    %dma_start3A_49 = tpu.memref_squeeze %dma_start3A_48 : memref<1x100xi32, #tpu.memory_space<hbm>> -> memref<100xi32, #tpu.memory_space<hbm>>
    %dma_start3A_50 = arith.constant 0 : i32
    %dma_start3A_51 = tpu.memref_slice %arg4[%add3A_46, %dma_start3A_50] : memref<3200x100xi32, #tpu.memory_space<hbm>> -> memref<1x100xi32, #tpu.memory_space<hbm>>
    %dma_start3A_52 = tpu.memref_squeeze %dma_start3A_51 : memref<1x100xi32, #tpu.memory_space<hbm>> -> memref<100xi32, #tpu.memory_space<hbm>>
    tpu.enqueue_dma source(%dma_start3A_52 : memref<100xi32, #tpu.memory_space<hbm>>) target(%arg9 : memref<100xi32, #tpu.memory_space<vmem>>) target_semaphore(%arg18 : memref<!tpu.dma_semaphore, #tpu.memory_space<semaphore_mem>>)
    %dma_start3A_53 = arith.constant 1 : i32
    %dma_start3A_54 = arith.constant 0 : i32
    %dma_start3A_55 = tpu.memref_slice %arg7[%dma_start3A_53, %dma_start3A_54] : memref<100x100xi32, #tpu.memory_space<vmem>> -> memref<1x100xi32, #tpu.memory_space<vmem>>
    %dma_start3A_56 = tpu.memref_squeeze %dma_start3A_55 : memref<1x100xi32, #tpu.memory_space<vmem>> -> memref<100xi32, #tpu.memory_space<vmem>>
    %dma_start3A_57 = arith.constant 0 : i32
    %dma_start3A_58 = arith.constant 0 : i32
    %dma_start3A_59 = tpu.memref_slice %arg2[%dma_start3A_57, %dma_start3A_58] : memref<10000x128xf32, #tpu.memory_space<hbm>> -> memref<10000x128xf32, #tpu.memory_space<hbm>>
    tpu.enqueue_indirect_dma source(%dma_start3A_59 : memref<10000x128xf32, #tpu.memory_space<hbm>>) target(%arg12 : memref<100x128xf32, #tpu.memory_space<vmem>>) offsets(%dma_start3A_56 : memref<100xi32, #tpu.memory_space<vmem>>) semaphore(%arg15 : memref<!tpu.dma_semaphore, #tpu.memory_space<semaphore_mem>>)
    %barrier3A = arith.constant 0 : index
    tpu.barrier barrier_id(%barrier3A)
    %scan3A_60 = arith.constant 0 : i32
    %scan3A_61 = arith.constant 0 : i32
    %scan3A_62 = arith.constant 34 : i32
    %scan3A_63 = arith.addi %scan3A_61, %scan3A_62 : i32
    %scan3A_64 = arith.constant 1 : i32
    scf.for %scan3A_67 = %scan3A_61 to %scan3A_63 step %scan3A_64  : i32 {
      %mul3A_68 = arith.constant 3 : i32
      %mul3A_69 = arith.muli %scan3A_67, %mul3A_68 : i32
      %add3A_70 = arith.constant 0 : i32
      %add3A_71 = arith.addi %mul3A_69, %add3A_70 : i32
      %add3A_72 = arith.constant 3 : i32
      %add3A_73 = arith.addi %add3A_71, %add3A_72 : i32
      %sub3A = arith.constant 1 : i32
      %sub3A_74 = arith.subi %add3A_73, %sub3A : i32
      %lt3A = arith.constant 100 : i32
      %lt3A_75 = arith.cmpi slt, %sub3A_74, %lt3A : i32
      %convert_element_type3A = arith.extui %lt3A_75 : i1 to i32
      %cond3A = arith.constant 0 : i32
      %cond3A_76 = arith.cmpi ne, %convert_element_type3A, %cond3A : i32
      scf.if %cond3A_76 {
        %add3A_118 = arith.addi %mul3A_4, %add3A_71 : i32
        %add3A_119 = arith.constant 3 : i32
        %add3A_120 = arith.addi %add3A_118, %add3A_119 : i32
        %sub3A_121 = arith.constant 1 : i32
        %sub3A_122 = arith.subi %add3A_120, %sub3A_121 : i32
        %dma_start3A_123 = arith.constant 0 : i32
        %dma_start3A_124 = tpu.memref_slice %arg4[%sub3A_122, %dma_start3A_123] : memref<3200x100xi32, #tpu.memory_space<hbm>> -> memref<1x100xi32, #tpu.memory_space<hbm>>
        %dma_start3A_125 = tpu.memref_squeeze %dma_start3A_124 : memref<1x100xi32, #tpu.memory_space<hbm>> -> memref<100xi32, #tpu.memory_space<hbm>>
        %dma_start3A_126 = arith.constant 0 : i32
        %dma_start3A_127 = tpu.memref_slice %arg4[%sub3A_122, %dma_start3A_126] : memref<3200x100xi32, #tpu.memory_space<hbm>> -> memref<1x100xi32, #tpu.memory_space<hbm>>
        %dma_start3A_128 = tpu.memref_squeeze %dma_start3A_127 : memref<1x100xi32, #tpu.memory_space<hbm>> -> memref<100xi32, #tpu.memory_space<hbm>>
        tpu.enqueue_dma source(%dma_start3A_128 : memref<100xi32, #tpu.memory_space<hbm>>) target(%arg10 : memref<100xi32, #tpu.memory_space<vmem>>) target_semaphore(%arg19 : memref<!tpu.dma_semaphore, #tpu.memory_space<semaphore_mem>>)
        %add3A_129 = arith.constant 3 : i32
        %add3A_130 = arith.addi %add3A_71, %add3A_129 : i32
        %sub3A_131 = arith.constant 1 : i32
        %sub3A_132 = arith.subi %add3A_130, %sub3A_131 : i32
        %dma_start3A_133 = arith.constant 0 : i32
        %dma_start3A_134 = tpu.memref_slice %arg7[%sub3A_132, %dma_start3A_133] : memref<100x100xi32, #tpu.memory_space<vmem>> -> memref<1x100xi32, #tpu.memory_space<vmem>>
        %dma_start3A_135 = tpu.memref_squeeze %dma_start3A_134 : memref<1x100xi32, #tpu.memory_space<vmem>> -> memref<100xi32, #tpu.memory_space<vmem>>
        %dma_start3A_136 = arith.constant 0 : i32
        %dma_start3A_137 = arith.constant 0 : i32
        %dma_start3A_138 = tpu.memref_slice %arg2[%dma_start3A_136, %dma_start3A_137] : memref<10000x128xf32, #tpu.memory_space<hbm>> -> memref<10000x128xf32, #tpu.memory_space<hbm>>
        tpu.enqueue_indirect_dma source(%dma_start3A_138 : memref<10000x128xf32, #tpu.memory_space<hbm>>) target(%arg13 : memref<100x128xf32, #tpu.memory_space<vmem>>) offsets(%dma_start3A_135 : memref<100xi32, #tpu.memory_space<vmem>>) semaphore(%arg16 : memref<!tpu.dma_semaphore, #tpu.memory_space<semaphore_mem>>)
      } else {
      }
      %lt3A_77 = arith.constant 100 : i32
      %lt3A_78 = arith.cmpi slt, %add3A_71, %lt3A_77 : i32
      %convert_element_type3A_79 = arith.extui %lt3A_78 : i1 to i32
      %cond3A_80 = arith.constant 0 : i32
      %cond3A_81 = arith.cmpi ne, %convert_element_type3A_79, %cond3A_80 : i32
      scf.if %cond3A_81 {
        %dma_wait3A_118 = arith.constant 0 : i32
        %dma_wait3A_119 = tpu.memref_slice %arg7[%add3A_71, %dma_wait3A_118] : memref<100x100xi32, #tpu.memory_space<vmem>> -> memref<1x100xi32, #tpu.memory_space<vmem>>
        %dma_wait3A_120 = tpu.memref_squeeze %dma_wait3A_119 : memref<1x100xi32, #tpu.memory_space<vmem>> -> memref<100xi32, #tpu.memory_space<vmem>>
        %dma_wait3A_121 = arith.constant 0 : i32
        %dma_wait3A_122 = arith.constant 0 : i32
        %dma_wait3A_123 = tpu.memref_slice %arg2[%dma_wait3A_121, %dma_wait3A_122] : memref<10000x128xf32, #tpu.memory_space<hbm>> -> memref<10000x128xf32, #tpu.memory_space<hbm>>
        tpu.wait_indirect_dma semaphore(%arg14 : memref<!tpu.dma_semaphore, #tpu.memory_space<semaphore_mem>>) src(%dma_wait3A_123 : memref<10000x128xf32, #tpu.memory_space<hbm>>) dst(%arg11 : memref<100x128xf32, #tpu.memory_space<vmem>>)
        %add3A_124 = arith.addi %mul3A_4, %add3A_71 : i32
        %dma_wait3A_125 = arith.constant 0 : i32
        %dma_wait3A_126 = tpu.memref_slice %arg4[%add3A_124, %dma_wait3A_125] : memref<3200x100xi32, #tpu.memory_space<hbm>> -> memref<1x100xi32, #tpu.memory_space<hbm>>
        %dma_wait3A_127 = tpu.memref_squeeze %dma_wait3A_126 : memref<1x100xi32, #tpu.memory_space<hbm>> -> memref<100xi32, #tpu.memory_space<hbm>>
        %dma_wait3A_128 = arith.constant 0 : i32
        %dma_wait3A_129 = tpu.memref_slice %arg4[%add3A_124, %dma_wait3A_128] : memref<3200x100xi32, #tpu.memory_space<hbm>> -> memref<1x100xi32, #tpu.memory_space<hbm>>
        %dma_wait3A_130 = tpu.memref_squeeze %dma_wait3A_129 : memref<1x100xi32, #tpu.memory_space<hbm>> -> memref<100xi32, #tpu.memory_space<hbm>>
        tpu.wait_dma2 semaphore(%arg17 : memref<!tpu.dma_semaphore, #tpu.memory_space<semaphore_mem>>) src(%dma_wait3A_130 : memref<100xi32, #tpu.memory_space<hbm>>) dst(%arg8 : memref<100xi32, #tpu.memory_space<vmem>>)
        "tpu.region"() ({
          %run_scoped3A = tpu.sem_alloc : memref<!tpu.dma_semaphore, #tpu.memory_space<semaphore_mem>>
          %dma_start3A_131 = arith.constant 0 : i32
          %dma_start3A_132 = arith.constant 0 : i32
          %dma_start3A_133 = tpu.memref_slice %arg6[%dma_start3A_131, %dma_start3A_132] : memref<10240x128xf32, #tpu.memory_space<vmem_shared>> -> memref<10240x128xf32, #tpu.memory_space<vmem_shared>>
          tpu.enqueue_indirect_dma source(%arg11 : memref<100x128xf32, #tpu.memory_space<vmem>>) target(%dma_start3A_133 : memref<10240x128xf32, #tpu.memory_space<vmem_shared>>) offsets(%arg8 : memref<100xi32, #tpu.memory_space<vmem>>) semaphore(%run_scoped3A : memref<!tpu.dma_semaphore, #tpu.memory_space<semaphore_mem>>) {add = true}
          %dma_wait3A_134 = arith.constant 0 : i32
          %dma_wait3A_135 = arith.constant 0 : i32
          %dma_wait3A_136 = tpu.memref_slice %arg6[%dma_wait3A_134, %dma_wait3A_135] : memref<10240x128xf32, #tpu.memory_space<vmem_shared>> -> memref<10240x128xf32, #tpu.memory_space<vmem_shared>>
          tpu.wait_indirect_dma semaphore(%run_scoped3A : memref<!tpu.dma_semaphore, #tpu.memory_space<semaphore_mem>>) src(%arg11 : memref<100x128xf32, #tpu.memory_space<vmem>>) dst(%dma_wait3A_136 : memref<10240x128xf32, #tpu.memory_space<vmem_shared>>)
          tpu.yield
        }) : () -> ()
      } else {
      }
      %mul3A_82 = arith.constant 3 : i32
      %mul3A_83 = arith.muli %scan3A_67, %mul3A_82 : i32
      %add3A_84 = arith.constant 1 : i32
      %add3A_85 = arith.addi %mul3A_83, %add3A_84 : i32
      %add3A_86 = arith.constant 3 : i32
      %add3A_87 = arith.addi %add3A_85, %add3A_86 : i32
      %sub3A_88 = arith.constant 1 : i32
      %sub3A_89 = arith.subi %add3A_87, %sub3A_88 : i32
      %lt3A_90 = arith.constant 100 : i32
      %lt3A_91 = arith.cmpi slt, %sub3A_89, %lt3A_90 : i32
      %convert_element_type3A_92 = arith.extui %lt3A_91 : i1 to i32
      %cond3A_93 = arith.constant 0 : i32
      %cond3A_94 = arith.cmpi ne, %convert_element_type3A_92, %cond3A_93 : i32
      scf.if %cond3A_94 {
        %add3A_118 = arith.addi %mul3A_4, %add3A_85 : i32
        %add3A_119 = arith.constant 3 : i32
        %add3A_120 = arith.addi %add3A_118, %add3A_119 : i32
        %sub3A_121 = arith.constant 1 : i32
        %sub3A_122 = arith.subi %add3A_120, %sub3A_121 : i32
        %dma_start3A_123 = arith.constant 0 : i32
        %dma_start3A_124 = tpu.memref_slice %arg4[%sub3A_122, %dma_start3A_123] : memref<3200x100xi32, #tpu.memory_space<hbm>> -> memref<1x100xi32, #tpu.memory_space<hbm>>
        %dma_start3A_125 = tpu.memref_squeeze %dma_start3A_124 : memref<1x100xi32, #tpu.memory_space<hbm>> -> memref<100xi32, #tpu.memory_space<hbm>>
        %dma_start3A_126 = arith.constant 0 : i32
        %dma_start3A_127 = tpu.memref_slice %arg4[%sub3A_122, %dma_start3A_126] : memref<3200x100xi32, #tpu.memory_space<hbm>> -> memref<1x100xi32, #tpu.memory_space<hbm>>
        %dma_start3A_128 = tpu.memref_squeeze %dma_start3A_127 : memref<1x100xi32, #tpu.memory_space<hbm>> -> memref<100xi32, #tpu.memory_space<hbm>>
        tpu.enqueue_dma source(%dma_start3A_128 : memref<100xi32, #tpu.memory_space<hbm>>) target(%arg8 : memref<100xi32, #tpu.memory_space<vmem>>) target_semaphore(%arg17 : memref<!tpu.dma_semaphore, #tpu.memory_space<semaphore_mem>>)
        %add3A_129 = arith.constant 3 : i32
        %add3A_130 = arith.addi %add3A_85, %add3A_129 : i32
        %sub3A_131 = arith.constant 1 : i32
        %sub3A_132 = arith.subi %add3A_130, %sub3A_131 : i32
        %dma_start3A_133 = arith.constant 0 : i32
        %dma_start3A_134 = tpu.memref_slice %arg7[%sub3A_132, %dma_start3A_133] : memref<100x100xi32, #tpu.memory_space<vmem>> -> memref<1x100xi32, #tpu.memory_space<vmem>>
        %dma_start3A_135 = tpu.memref_squeeze %dma_start3A_134 : memref<1x100xi32, #tpu.memory_space<vmem>> -> memref<100xi32, #tpu.memory_space<vmem>>
        %dma_start3A_136 = arith.constant 0 : i32
        %dma_start3A_137 = arith.constant 0 : i32
        %dma_start3A_138 = tpu.memref_slice %arg2[%dma_start3A_136, %dma_start3A_137] : memref<10000x128xf32, #tpu.memory_space<hbm>> -> memref<10000x128xf32, #tpu.memory_space<hbm>>
        tpu.enqueue_indirect_dma source(%dma_start3A_138 : memref<10000x128xf32, #tpu.memory_space<hbm>>) target(%arg11 : memref<100x128xf32, #tpu.memory_space<vmem>>) offsets(%dma_start3A_135 : memref<100xi32, #tpu.memory_space<vmem>>) semaphore(%arg14 : memref<!tpu.dma_semaphore, #tpu.memory_space<semaphore_mem>>)
      } else {
      }
      %lt3A_95 = arith.constant 100 : i32
      %lt3A_96 = arith.cmpi slt, %add3A_85, %lt3A_95 : i32
      %convert_element_type3A_97 = arith.extui %lt3A_96 : i1 to i32
      %cond3A_98 = arith.constant 0 : i32
      %cond3A_99 = arith.cmpi ne, %convert_element_type3A_97, %cond3A_98 : i32
      scf.if %cond3A_99 {
        %dma_wait3A_118 = arith.constant 0 : i32
        %dma_wait3A_119 = tpu.memref_slice %arg7[%add3A_85, %dma_wait3A_118] : memref<100x100xi32, #tpu.memory_space<vmem>> -> memref<1x100xi32, #tpu.memory_space<vmem>>
        %dma_wait3A_120 = tpu.memref_squeeze %dma_wait3A_119 : memref<1x100xi32, #tpu.memory_space<vmem>> -> memref<100xi32, #tpu.memory_space<vmem>>
        %dma_wait3A_121 = arith.constant 0 : i32
        %dma_wait3A_122 = arith.constant 0 : i32
        %dma_wait3A_123 = tpu.memref_slice %arg2[%dma_wait3A_121, %dma_wait3A_122] : memref<10000x128xf32, #tpu.memory_space<hbm>> -> memref<10000x128xf32, #tpu.memory_space<hbm>>
        tpu.wait_indirect_dma semaphore(%arg15 : memref<!tpu.dma_semaphore, #tpu.memory_space<semaphore_mem>>) src(%dma_wait3A_123 : memref<10000x128xf32, #tpu.memory_space<hbm>>) dst(%arg12 : memref<100x128xf32, #tpu.memory_space<vmem>>)
        %add3A_124 = arith.addi %mul3A_4, %add3A_85 : i32
        %dma_wait3A_125 = arith.constant 0 : i32
        %dma_wait3A_126 = tpu.memref_slice %arg4[%add3A_124, %dma_wait3A_125] : memref<3200x100xi32, #tpu.memory_space<hbm>> -> memref<1x100xi32, #tpu.memory_space<hbm>>
        %dma_wait3A_127 = tpu.memref_squeeze %dma_wait3A_126 : memref<1x100xi32, #tpu.memory_space<hbm>> -> memref<100xi32, #tpu.memory_space<hbm>>
        %dma_wait3A_128 = arith.constant 0 : i32
        %dma_wait3A_129 = tpu.memref_slice %arg4[%add3A_124, %dma_wait3A_128] : memref<3200x100xi32, #tpu.memory_space<hbm>> -> memref<1x100xi32, #tpu.memory_space<hbm>>
        %dma_wait3A_130 = tpu.memref_squeeze %dma_wait3A_129 : memref<1x100xi32, #tpu.memory_space<hbm>> -> memref<100xi32, #tpu.memory_space<hbm>>
        tpu.wait_dma2 semaphore(%arg18 : memref<!tpu.dma_semaphore, #tpu.memory_space<semaphore_mem>>) src(%dma_wait3A_130 : memref<100xi32, #tpu.memory_space<hbm>>) dst(%arg9 : memref<100xi32, #tpu.memory_space<vmem>>)
        "tpu.region"() ({
          %run_scoped3A = tpu.sem_alloc : memref<!tpu.dma_semaphore, #tpu.memory_space<semaphore_mem>>
          %dma_start3A_131 = arith.constant 0 : i32
          %dma_start3A_132 = arith.constant 0 : i32
          %dma_start3A_133 = tpu.memref_slice %arg6[%dma_start3A_131, %dma_start3A_132] : memref<10240x128xf32, #tpu.memory_space<vmem_shared>> -> memref<10240x128xf32, #tpu.memory_space<vmem_shared>>
          tpu.enqueue_indirect_dma source(%arg12 : memref<100x128xf32, #tpu.memory_space<vmem>>) target(%dma_start3A_133 : memref<10240x128xf32, #tpu.memory_space<vmem_shared>>) offsets(%arg9 : memref<100xi32, #tpu.memory_space<vmem>>) semaphore(%run_scoped3A : memref<!tpu.dma_semaphore, #tpu.memory_space<semaphore_mem>>) {add = true}
          %dma_wait3A_134 = arith.constant 0 : i32
          %dma_wait3A_135 = arith.constant 0 : i32
          %dma_wait3A_136 = tpu.memref_slice %arg6[%dma_wait3A_134, %dma_wait3A_135] : memref<10240x128xf32, #tpu.memory_space<vmem_shared>> -> memref<10240x128xf32, #tpu.memory_space<vmem_shared>>
          tpu.wait_indirect_dma semaphore(%run_scoped3A : memref<!tpu.dma_semaphore, #tpu.memory_space<semaphore_mem>>) src(%arg12 : memref<100x128xf32, #tpu.memory_space<vmem>>) dst(%dma_wait3A_136 : memref<10240x128xf32, #tpu.memory_space<vmem_shared>>)
          tpu.yield
        }) : () -> ()
      } else {
      }
      %mul3A_100 = arith.constant 3 : i32
      %mul3A_101 = arith.muli %scan3A_67, %mul3A_100 : i32
      %add3A_102 = arith.constant 2 : i32
      %add3A_103 = arith.addi %mul3A_101, %add3A_102 : i32
      %add3A_104 = arith.constant 3 : i32
      %add3A_105 = arith.addi %add3A_103, %add3A_104 : i32
      %sub3A_106 = arith.constant 1 : i32
      %sub3A_107 = arith.subi %add3A_105, %sub3A_106 : i32
      %lt3A_108 = arith.constant 100 : i32
      %lt3A_109 = arith.cmpi slt, %sub3A_107, %lt3A_108 : i32
      %convert_element_type3A_110 = arith.extui %lt3A_109 : i1 to i32
      %cond3A_111 = arith.constant 0 : i32
      %cond3A_112 = arith.cmpi ne, %convert_element_type3A_110, %cond3A_111 : i32
      scf.if %cond3A_112 {
        %add3A_118 = arith.addi %mul3A_4, %add3A_103 : i32
        %add3A_119 = arith.constant 3 : i32
        %add3A_120 = arith.addi %add3A_118, %add3A_119 : i32
        %sub3A_121 = arith.constant 1 : i32
        %sub3A_122 = arith.subi %add3A_120, %sub3A_121 : i32
        %dma_start3A_123 = arith.constant 0 : i32
        %dma_start3A_124 = tpu.memref_slice %arg4[%sub3A_122, %dma_start3A_123] : memref<3200x100xi32, #tpu.memory_space<hbm>> -> memref<1x100xi32, #tpu.memory_space<hbm>>
        %dma_start3A_125 = tpu.memref_squeeze %dma_start3A_124 : memref<1x100xi32, #tpu.memory_space<hbm>> -> memref<100xi32, #tpu.memory_space<hbm>>
        %dma_start3A_126 = arith.constant 0 : i32
        %dma_start3A_127 = tpu.memref_slice %arg4[%sub3A_122, %dma_start3A_126] : memref<3200x100xi32, #tpu.memory_space<hbm>> -> memref<1x100xi32, #tpu.memory_space<hbm>>
        %dma_start3A_128 = tpu.memref_squeeze %dma_start3A_127 : memref<1x100xi32, #tpu.memory_space<hbm>> -> memref<100xi32, #tpu.memory_space<hbm>>
        tpu.enqueue_dma source(%dma_start3A_128 : memref<100xi32, #tpu.memory_space<hbm>>) target(%arg9 : memref<100xi32, #tpu.memory_space<vmem>>) target_semaphore(%arg18 : memref<!tpu.dma_semaphore, #tpu.memory_space<semaphore_mem>>)
        %add3A_129 = arith.constant 3 : i32
        %add3A_130 = arith.addi %add3A_103, %add3A_129 : i32
        %sub3A_131 = arith.constant 1 : i32
        %sub3A_132 = arith.subi %add3A_130, %sub3A_131 : i32
        %dma_start3A_133 = arith.constant 0 : i32
        %dma_start3A_134 = tpu.memref_slice %arg7[%sub3A_132, %dma_start3A_133] : memref<100x100xi32, #tpu.memory_space<vmem>> -> memref<1x100xi32, #tpu.memory_space<vmem>>
        %dma_start3A_135 = tpu.memref_squeeze %dma_start3A_134 : memref<1x100xi32, #tpu.memory_space<vmem>> -> memref<100xi32, #tpu.memory_space<vmem>>
        %dma_start3A_136 = arith.constant 0 : i32
        %dma_start3A_137 = arith.constant 0 : i32
        %dma_start3A_138 = tpu.memref_slice %arg2[%dma_start3A_136, %dma_start3A_137] : memref<10000x128xf32, #tpu.memory_space<hbm>> -> memref<10000x128xf32, #tpu.memory_space<hbm>>
        tpu.enqueue_indirect_dma source(%dma_start3A_138 : memref<10000x128xf32, #tpu.memory_space<hbm>>) target(%arg12 : memref<100x128xf32, #tpu.memory_space<vmem>>) offsets(%dma_start3A_135 : memref<100xi32, #tpu.memory_space<vmem>>) semaphore(%arg15 : memref<!tpu.dma_semaphore, #tpu.memory_space<semaphore_mem>>)
      } else {
      }
      %lt3A_113 = arith.constant 100 : i32
      %lt3A_114 = arith.cmpi slt, %add3A_103, %lt3A_113 : i32
      %convert_element_type3A_115 = arith.extui %lt3A_114 : i1 to i32
      %cond3A_116 = arith.constant 0 : i32
      %cond3A_117 = arith.cmpi ne, %convert_element_type3A_115, %cond3A_116 : i32
      scf.if %cond3A_117 {
        %dma_wait3A_118 = arith.constant 0 : i32
        %dma_wait3A_119 = tpu.memref_slice %arg7[%add3A_103, %dma_wait3A_118] : memref<100x100xi32, #tpu.memory_space<vmem>> -> memref<1x100xi32, #tpu.memory_space<vmem>>
        %dma_wait3A_120 = tpu.memref_squeeze %dma_wait3A_119 : memref<1x100xi32, #tpu.memory_space<vmem>> -> memref<100xi32, #tpu.memory_space<vmem>>
        %dma_wait3A_121 = arith.constant 0 : i32
        %dma_wait3A_122 = arith.constant 0 : i32
        %dma_wait3A_123 = tpu.memref_slice %arg2[%dma_wait3A_121, %dma_wait3A_122] : memref<10000x128xf32, #tpu.memory_space<hbm>> -> memref<10000x128xf32, #tpu.memory_space<hbm>>
        tpu.wait_indirect_dma semaphore(%arg16 : memref<!tpu.dma_semaphore, #tpu.memory_space<semaphore_mem>>) src(%dma_wait3A_123 : memref<10000x128xf32, #tpu.memory_space<hbm>>) dst(%arg13 : memref<100x128xf32, #tpu.memory_space<vmem>>)
        %add3A_124 = arith.addi %mul3A_4, %add3A_103 : i32
        %dma_wait3A_125 = arith.constant 0 : i32
        %dma_wait3A_126 = tpu.memref_slice %arg4[%add3A_124, %dma_wait3A_125] : memref<3200x100xi32, #tpu.memory_space<hbm>> -> memref<1x100xi32, #tpu.memory_space<hbm>>
        %dma_wait3A_127 = tpu.memref_squeeze %dma_wait3A_126 : memref<1x100xi32, #tpu.memory_space<hbm>> -> memref<100xi32, #tpu.memory_space<hbm>>
        %dma_wait3A_128 = arith.constant 0 : i32
        %dma_wait3A_129 = tpu.memref_slice %arg4[%add3A_124, %dma_wait3A_128] : memref<3200x100xi32, #tpu.memory_space<hbm>> -> memref<1x100xi32, #tpu.memory_space<hbm>>
        %dma_wait3A_130 = tpu.memref_squeeze %dma_wait3A_129 : memref<1x100xi32, #tpu.memory_space<hbm>> -> memref<100xi32, #tpu.memory_space<hbm>>
        tpu.wait_dma2 semaphore(%arg19 : memref<!tpu.dma_semaphore, #tpu.memory_space<semaphore_mem>>) src(%dma_wait3A_130 : memref<100xi32, #tpu.memory_space<hbm>>) dst(%arg10 : memref<100xi32, #tpu.memory_space<vmem>>)
        "tpu.region"() ({
          %run_scoped3A = tpu.sem_alloc : memref<!tpu.dma_semaphore, #tpu.memory_space<semaphore_mem>>
          %dma_start3A_131 = arith.constant 0 : i32
          %dma_start3A_132 = arith.constant 0 : i32
          %dma_start3A_133 = tpu.memref_slice %arg6[%dma_start3A_131, %dma_start3A_132] : memref<10240x128xf32, #tpu.memory_space<vmem_shared>> -> memref<10240x128xf32, #tpu.memory_space<vmem_shared>>
          tpu.enqueue_indirect_dma source(%arg13 : memref<100x128xf32, #tpu.memory_space<vmem>>) target(%dma_start3A_133 : memref<10240x128xf32, #tpu.memory_space<vmem_shared>>) offsets(%arg10 : memref<100xi32, #tpu.memory_space<vmem>>) semaphore(%run_scoped3A : memref<!tpu.dma_semaphore, #tpu.memory_space<semaphore_mem>>) {add = true}
          %dma_wait3A_134 = arith.constant 0 : i32
          %dma_wait3A_135 = arith.constant 0 : i32
          %dma_wait3A_136 = tpu.memref_slice %arg6[%dma_wait3A_134, %dma_wait3A_135] : memref<10240x128xf32, #tpu.memory_space<vmem_shared>> -> memref<10240x128xf32, #tpu.memory_space<vmem_shared>>
          tpu.wait_indirect_dma semaphore(%run_scoped3A : memref<!tpu.dma_semaphore, #tpu.memory_space<semaphore_mem>>) src(%arg13 : memref<100x128xf32, #tpu.memory_space<vmem>>) dst(%dma_wait3A_136 : memref<10240x128xf32, #tpu.memory_space<vmem_shared>>)
          tpu.yield
        }) : () -> ()
      } else {
      }
    }
    %scan3A_65 = arith.constant 34 : i32
    %barrier3A_66 = arith.constant 0 : index
    tpu.barrier barrier_id(%barrier3A_66)
    "tpu.region"() ({
      %run_scoped3A = tpu.sem_alloc : memref<!tpu.dma_semaphore, #tpu.memory_space<semaphore_mem>>
      %dma_start3A_67 = arith.constant 0 : i32
      %dma_start3A_68 = tpu.memref_slice %arg5[%arg0, %mul3A_2, %dma_start3A_67] : memref<2x10240x128xf32, #tpu.memory_space<hbm>> -> memref<1x640x128xf32, #tpu.memory_space<hbm>>
      %dma_start3A_69 = tpu.memref_squeeze %dma_start3A_68 : memref<1x640x128xf32, #tpu.memory_space<hbm>> -> memref<640x128xf32, #tpu.memory_space<hbm>>
      %dma_start3A_70 = arith.constant 0 : i32
      %dma_start3A_71 = tpu.memref_slice %arg6[%mul3A_2, %dma_start3A_70] : memref<10240x128xf32, #tpu.memory_space<vmem_shared>> -> memref<640x128xf32, #tpu.memory_space<vmem_shared>>
      tpu.enqueue_dma source(%dma_start3A_71 : memref<640x128xf32, #tpu.memory_space<vmem_shared>>) target(%dma_start3A_69 : memref<640x128xf32, #tpu.memory_space<hbm>>) target_semaphore(%run_scoped3A : memref<!tpu.dma_semaphore, #tpu.memory_space<semaphore_mem>>)
      %dma_wait3A_72 = arith.constant 0 : i32
      %dma_wait3A_73 = tpu.memref_slice %arg5[%arg0, %mul3A_2, %dma_wait3A_72] : memref<2x10240x128xf32, #tpu.memory_space<hbm>> -> memref<1x640x128xf32, #tpu.memory_space<hbm>>
      %dma_wait3A_74 = tpu.memref_squeeze %dma_wait3A_73 : memref<1x640x128xf32, #tpu.memory_space<hbm>> -> memref<640x128xf32, #tpu.memory_space<hbm>>
      %dma_wait3A_75 = arith.constant 0 : i32
      %dma_wait3A_76 = tpu.memref_slice %arg6[%mul3A_2, %dma_wait3A_75] : memref<10240x128xf32, #tpu.memory_space<vmem_shared>> -> memref<640x128xf32, #tpu.memory_space<vmem_shared>>
      tpu.wait_dma2 semaphore(%run_scoped3A : memref<!tpu.dma_semaphore, #tpu.memory_space<semaphore_mem>>) src(%dma_wait3A_76 : memref<640x128xf32, #tpu.memory_space<vmem_shared>>) dst(%dma_wait3A_74 : memref<640x128xf32, #tpu.memory_space<hbm>>)
      tpu.yield
    }) : () -> ()
    return
  }
}

module attributes {stable_mosaic.version = 14 : i64} {
  func.func @_stage_b(%arg0: memref<10000x128xf32, #tpu.memory_space<vmem>>, %arg1: memref<2x10240x128xf32, #tpu.memory_space<vmem>>, %arg2: memref<128x64xf32, #tpu.memory_space<vmem>>, %arg3: memref<1x64xf32, #tpu.memory_space<vmem>>, %arg4: memref<64x64xf32, #tpu.memory_space<vmem>>, %arg5: memref<1x64xf32, #tpu.memory_space<vmem>>, %arg6: memref<10000x64xf32, #tpu.memory_space<vmem>>) attributes {dimension_semantics = [], scalar_prefetch = 0 : i64, scratch_operands = 0 : i64, tpu.core_type = #tpu.core_type<tc>} {
    %get3A = arith.constant 0 : index
    %get3A_0 = arith.constant 0 : index
    %get3A_1 = vector.load %arg0[%get3A, %get3A_0] : memref<10000x128xf32, #tpu.memory_space<vmem>>, vector<10000x128xf32>
    %get3A_2 = arith.constant 0 : index
    %get3A_3 = arith.constant 0 : index
    %get3A_4 = arith.constant 0 : index
    %get3A_5 = vector.load %arg1[%get3A_2, %get3A_3, %get3A_4] : memref<2x10240x128xf32, #tpu.memory_space<vmem>>, vector<1x10240x128xf32>
    %get3A_6 = vector.shape_cast %get3A_5 : vector<1x10240x128xf32> to vector<10240x128xf32>
    %get3A_7 = arith.constant 1 : index
    %get3A_8 = arith.constant 0 : index
    %get3A_9 = arith.constant 0 : index
    %get3A_10 = vector.load %arg1[%get3A_7, %get3A_8, %get3A_9] : memref<2x10240x128xf32, #tpu.memory_space<vmem>>, vector<1x10240x128xf32>
    %get3A_11 = vector.shape_cast %get3A_10 : vector<1x10240x128xf32> to vector<10240x128xf32>
    %add3A = arith.addf %get3A_6, %get3A_11 : vector<10240x128xf32>
    %slice3A = vector.extract_strided_slice %add3A {offsets = [0, 0], sizes = [10000, 128], strides = [1, 1]} : vector<10240x128xf32> to vector<10000x128xf32>
    %add3A_12 = arith.addf %get3A_1, %slice3A : vector<10000x128xf32>
    %get3A_13 = arith.constant 0 : index
    %get3A_14 = arith.constant 0 : index
    %get3A_15 = vector.load %arg2[%get3A_13, %get3A_14] : memref<128x64xf32, #tpu.memory_space<vmem>>, vector<128x64xf32>
    %dot_general3A = arith.constant dense<0.000000e+00> : vector<10000x64xf32>
    %dot_general3A_16 = tpu.matmul %add3A_12, %get3A_15, %dot_general3A {dimension_numbers = #tpu.dot_dimension_numbers<[1], [0], [0], [1], [0, 0, 1, 1], [], []>, transpose_lhs_hint = false} : vector<10000x128xf32>, vector<128x64xf32>, vector<10000x64xf32> -> vector<10000x64xf32>
    %get3A_17 = arith.constant 0 : index
    %get3A_18 = arith.constant 0 : index
    %get3A_19 = vector.load %arg3[%get3A_17, %get3A_18] : memref<1x64xf32, #tpu.memory_space<vmem>>, vector<1x64xf32>
    %add3A_20 = vector.broadcast %get3A_19 : vector<1x64xf32> to vector<10000x64xf32>
    %add3A_21 = arith.addf %dot_general3A_16, %add3A_20 : vector<10000x64xf32>
    %max3A = arith.constant 0.000000e+00 : f32
    %max3A_22 = vector.broadcast %max3A : f32 to vector<10000x64xf32>
    %max3A_23 = arith.maximumf %add3A_21, %max3A_22 : vector<10000x64xf32>
    %get3A_24 = arith.constant 0 : index
    %get3A_25 = arith.constant 0 : index
    %get3A_26 = vector.load %arg4[%get3A_24, %get3A_25] : memref<64x64xf32, #tpu.memory_space<vmem>>, vector<64x64xf32>
    %dot_general3A_27 = arith.constant dense<0.000000e+00> : vector<10000x64xf32>
    %dot_general3A_28 = tpu.matmul %max3A_23, %get3A_26, %dot_general3A_27 {dimension_numbers = #tpu.dot_dimension_numbers<[1], [0], [0], [1], [0, 0, 1, 1], [], []>, transpose_lhs_hint = false} : vector<10000x64xf32>, vector<64x64xf32>, vector<10000x64xf32> -> vector<10000x64xf32>
    %get3A_29 = arith.constant 0 : index
    %get3A_30 = arith.constant 0 : index
    %get3A_31 = vector.load %arg5[%get3A_29, %get3A_30] : memref<1x64xf32, #tpu.memory_space<vmem>>, vector<1x64xf32>
    %add3A_32 = vector.broadcast %get3A_31 : vector<1x64xf32> to vector<10000x64xf32>
    %add3A_33 = arith.addf %dot_general3A_28, %add3A_32 : vector<10000x64xf32>
    %max3A_34 = arith.constant 0.000000e+00 : f32
    %max3A_35 = vector.broadcast %max3A_34 : f32 to vector<10000x64xf32>
    %max3A_36 = arith.maximumf %add3A_33, %max3A_35 : vector<10000x64xf32>
    %swap3A = arith.constant 0 : index
    %swap3A_37 = arith.constant 0 : index
    %swap3A_38 = vector.load %arg6[%swap3A, %swap3A_37] : memref<10000x64xf32, #tpu.memory_space<vmem>>, vector<10000x64xf32>
    tpu.vector_store %arg6[%swap3A, %swap3A_37], %max3A_36 {strides = array<i32>} : memref<10000x64xf32, #tpu.memory_space<vmem>>, vector<10000x64xf32>,
    return
  }
}

module attributes {stable_mosaic.version = 14 : i64} {
  func.func @_stage_c(%arg0: memref<10000x64xf32, #tpu.memory_space<vmem>>, %arg1: memref<2x10240x64xf32, #tpu.memory_space<vmem>>, %arg2: memref<64x64xf32, #tpu.memory_space<vmem>>, %arg3: memref<1x64xf32, #tpu.memory_space<vmem>>, %arg4: memref<64x128xf32, #tpu.memory_space<vmem>>, %arg5: memref<1x128xf32, #tpu.memory_space<vmem>>, %arg6: memref<128x128xf32, #tpu.memory_space<vmem>>, %arg7: memref<1x128xf32, #tpu.memory_space<vmem>>, %arg8: memref<128x1xf32, #tpu.memory_space<vmem>>, %arg9: memref<1x1xf32, #tpu.memory_space<vmem>>, %arg10: memref<10000x1xf32, #tpu.memory_space<vmem>>) attributes {dimension_semantics = [], scalar_prefetch = 0 : i64, scratch_operands = 0 : i64, tpu.core_type = #tpu.core_type<tc>} {
    %get3A = arith.constant 0 : index
    %get3A_0 = arith.constant 0 : index
    %get3A_1 = vector.load %arg0[%get3A, %get3A_0] : memref<10000x64xf32, #tpu.memory_space<vmem>>, vector<10000x64xf32>
    %get3A_2 = arith.constant 0 : index
    %get3A_3 = arith.constant 0 : index
    %get3A_4 = arith.constant 0 : index
    %get3A_5 = vector.load %arg1[%get3A_2, %get3A_3, %get3A_4] : memref<2x10240x64xf32, #tpu.memory_space<vmem>>, vector<1x10240x64xf32>
    %get3A_6 = vector.shape_cast %get3A_5 : vector<1x10240x64xf32> to vector<10240x64xf32>
    %get3A_7 = arith.constant 1 : index
    %get3A_8 = arith.constant 0 : index
    %get3A_9 = arith.constant 0 : index
    %get3A_10 = vector.load %arg1[%get3A_7, %get3A_8, %get3A_9] : memref<2x10240x64xf32, #tpu.memory_space<vmem>>, vector<1x10240x64xf32>
    %get3A_11 = vector.shape_cast %get3A_10 : vector<1x10240x64xf32> to vector<10240x64xf32>
    %add3A = arith.addf %get3A_6, %get3A_11 : vector<10240x64xf32>
    %slice3A = vector.extract_strided_slice %add3A {offsets = [0, 0], sizes = [10000, 64], strides = [1, 1]} : vector<10240x64xf32> to vector<10000x64xf32>
    %add3A_12 = arith.addf %get3A_1, %slice3A : vector<10000x64xf32>
    %get3A_13 = arith.constant 0 : index
    %get3A_14 = arith.constant 0 : index
    %get3A_15 = vector.load %arg2[%get3A_13, %get3A_14] : memref<64x64xf32, #tpu.memory_space<vmem>>, vector<64x64xf32>
    %dot_general3A = arith.constant dense<0.000000e+00> : vector<10000x64xf32>
    %dot_general3A_16 = tpu.matmul %add3A_12, %get3A_15, %dot_general3A {dimension_numbers = #tpu.dot_dimension_numbers<[1], [0], [0], [1], [0, 0, 1, 1], [], []>, transpose_lhs_hint = false} : vector<10000x64xf32>, vector<64x64xf32>, vector<10000x64xf32> -> vector<10000x64xf32>
    %get3A_17 = arith.constant 0 : index
    %get3A_18 = arith.constant 0 : index
    %get3A_19 = vector.load %arg3[%get3A_17, %get3A_18] : memref<1x64xf32, #tpu.memory_space<vmem>>, vector<1x64xf32>
    %add3A_20 = vector.broadcast %get3A_19 : vector<1x64xf32> to vector<10000x64xf32>
    %add3A_21 = arith.addf %dot_general3A_16, %add3A_20 : vector<10000x64xf32>
    %max3A = arith.constant 0.000000e+00 : f32
    %max3A_22 = vector.broadcast %max3A : f32 to vector<10000x64xf32>
    %max3A_23 = arith.maximumf %add3A_21, %max3A_22 : vector<10000x64xf32>
    %get3A_24 = arith.constant 0 : index
    %get3A_25 = arith.constant 0 : index
    %get3A_26 = vector.load %arg4[%get3A_24, %get3A_25] : memref<64x128xf32, #tpu.memory_space<vmem>>, vector<64x128xf32>
    %dot_general3A_27 = arith.constant dense<0.000000e+00> : vector<10000x128xf32>
    %dot_general3A_28 = tpu.matmul %max3A_23, %get3A_26, %dot_general3A_27 {dimension_numbers = #tpu.dot_dimension_numbers<[1], [0], [0], [1], [0, 0, 1, 1], [], []>, transpose_lhs_hint = false} : vector<10000x64xf32>, vector<64x128xf32>, vector<10000x128xf32> -> vector<10000x128xf32>
    %get3A_29 = arith.constant 0 : index
    %get3A_30 = arith.constant 0 : index
    %get3A_31 = vector.load %arg5[%get3A_29, %get3A_30] : memref<1x128xf32, #tpu.memory_space<vmem>>, vector<1x128xf32>
    %add3A_32 = vector.broadcast %get3A_31 : vector<1x128xf32> to vector<10000x128xf32>
    %add3A_33 = arith.addf %dot_general3A_28, %add3A_32 : vector<10000x128xf32>
    %max3A_34 = arith.constant 0.000000e+00 : f32
    %max3A_35 = vector.broadcast %max3A_34 : f32 to vector<10000x128xf32>
    %max3A_36 = arith.maximumf %add3A_33, %max3A_35 : vector<10000x128xf32>
    %get3A_37 = arith.constant 0 : index
    %get3A_38 = arith.constant 0 : index
    %get3A_39 = vector.load %arg6[%get3A_37, %get3A_38] : memref<128x128xf32, #tpu.memory_space<vmem>>, vector<128x128xf32>
    %dot_general3A_40 = arith.constant dense<0.000000e+00> : vector<10000x128xf32>
    %dot_general3A_41 = tpu.matmul %max3A_36, %get3A_39, %dot_general3A_40 {dimension_numbers = #tpu.dot_dimension_numbers<[1], [0], [0], [1], [0, 0, 1, 1], [], []>, transpose_lhs_hint = false} : vector<10000x128xf32>, vector<128x128xf32>, vector<10000x128xf32> -> vector<10000x128xf32>
    %get3A_42 = arith.constant 0 : index
    %get3A_43 = arith.constant 0 : index
    %get3A_44 = vector.load %arg7[%get3A_42, %get3A_43] : memref<1x128xf32, #tpu.memory_space<vmem>>, vector<1x128xf32>
    %add3A_45 = vector.broadcast %get3A_44 : vector<1x128xf32> to vector<10000x128xf32>
    %add3A_46 = arith.addf %dot_general3A_41, %add3A_45 : vector<10000x128xf32>
    %max3A_47 = arith.constant 0.000000e+00 : f32
    %max3A_48 = vector.broadcast %max3A_47 : f32 to vector<10000x128xf32>
    %max3A_49 = arith.maximumf %add3A_46, %max3A_48 : vector<10000x128xf32>
    %get3A_50 = arith.constant 0 : index
    %get3A_51 = arith.constant 0 : index
    %get3A_52 = vector.load %arg8[%get3A_50, %get3A_51] : memref<128x1xf32, #tpu.memory_space<vmem>>, vector<128x1xf32>
    %dot_general3A_53 = arith.constant dense<0.000000e+00> : vector<10000x1xf32>
    %dot_general3A_54 = tpu.matmul %max3A_49, %get3A_52, %dot_general3A_53 {dimension_numbers = #tpu.dot_dimension_numbers<[1], [0], [0], [1], [0, 0, 1, 1], [], []>, transpose_lhs_hint = false} : vector<10000x128xf32>, vector<128x1xf32>, vector<10000x1xf32> -> vector<10000x1xf32>
    %get3A_55 = arith.constant 0 : index
    %get3A_56 = arith.constant 0 : index
    %get3A_57 = vector.load %arg9[%get3A_55, %get3A_56] : memref<1x1xf32, #tpu.memory_space<vmem>>, vector<1x1xf32>
    %add3A_58 = vector.broadcast %get3A_57 : vector<1x1xf32> to vector<10000x1xf32>
    %add3A_59 = arith.addf %dot_general3A_54, %add3A_58 : vector<10000x1xf32>
    %neg3A = arith.constant 0.000000e+00 : f32
    %neg3A_60 = vector.broadcast %neg3A : f32 to vector<10000x1xf32>
    %neg3A_61 = arith.subf %neg3A_60, %add3A_59 : vector<10000x1xf32>
    %exp3A = math.exp %neg3A_61 : vector<10000x1xf32>
    %add3A_62 = arith.constant 1.000000e+00 : f32
    %add3A_63 = vector.broadcast %add3A_62 : f32 to vector<10000x1xf32>
    %add3A_64 = arith.addf %add3A_63, %exp3A : vector<10000x1xf32>
    %div3A = arith.constant 1.000000e+00 : f32
    %div3A_65 = vector.broadcast %div3A : f32 to vector<10000x1xf32>
    %div3A_66 = arith.divf %div3A_65, %add3A_64 : vector<10000x1xf32>
    %swap3A = arith.constant 0 : index
    %swap3A_67 = arith.constant 0 : index
    %swap3A_68 = vector.load %arg10[%swap3A, %swap3A_67] : memref<10000x1xf32, #tpu.memory_space<vmem>>, vector<10000x1xf32>
    tpu.vector_store %arg10[%swap3A, %swap3A_67], %div3A_66 {strides = array<i32>} : memref<10000x1xf32, #tpu.memory_space<vmem>>, vector<10000x1xf32>,
    return
  }
}

</mosaic_0001>

<sc_bundles>
// kernel: kernel.6.cloned.1.call-start
scs
__scs_entry_jumppad:
0x0: {  	(pc) =	sbr.rel $0x88, $3  }
0x1: {  	(tag) =	ssettag $0x0;
	lr =	simm.s32 $0x1  }
0x2: {  	[smem:$0x3F93] =	sst lr;
	_ =	strace $0xD0000000  }
0x3: {  	_ = 	snop  }
0x4: {  	_ = 	snop  }
0x5: {  	_ = 	snop  }
0x6: {  	_ = 	snop  }
0x7: {  	_ = 	snop  }
__scs_overlays_trampoline_lowered:
0x8: {  	[smem:$0x3FA2] =	sst s0  }
0x9: {  	[smem:$0x3FA3] =	sst s1  }
0xa: {  	[smem:$0x3FA4] =	sst s2  }
0xb: {  	[smem:$0x3FA5] =	sst s3  }
0xc: {  	[smem:$0x3FA6] =	sst s4  }
0xd: {  	[smem:$0x3FA7] =	sst s5  }
0xe: {  	[smem:$0x3FA8] =	sst s6  }
0xf: {  	[smem:$0x3FA9] =	sst s7  }
0x10: {  	[smem:$0x3FAA] =	sst s8  }
0x11: {  	[smem:$0x3FAB] =	sst s9;
	s0 =	simm.s32 @!p0 $0x0  }
0x12: {  	s1 =	sld [smem:$0x3F91];
	s0 =	simm.s32 @p0 $0x1  }
0x13: {  	[smem:$0x3FAC] =	sst s0;
	s0 =	simm.s32 @!p1 $0x0  }
0x14: {  	s2 =	sld [smem:$0x3F90];
	s0 =	simm.s32 @p1 $0x1  }
0x15: {  	[smem:$0x3FAD] =	sst s0;
	s0 =	simm.s32 @!p2 $0x0  }
0x16: {  	s3 =	sld [smem:$0x3FDB];
	s0 =	simm.s32 @p2 $0x1  }
0x17: {  	s4 =	simm.s32 $0x1BF5;
	[smem:$0x3FAF] =	sst s0  }
0x18: {  	s0 =	sld [smem:$0x3F92];
	_ =	swait.ge [sflag:s4], $0x0  }
0x19: {  	s7 =	sld [smem:$0x3F93]  }
0x1a: {  	s8 =	sadd.s32 $0xFFFFE003, lr  }
0x1b: {  	s9 =	sadd.s32 $0xFFFFFEF7, lr;
	s5 =	simm.s32 $0xFFFFFFFF;
	p2 =	slt.u32 s8, $0xFFFFF086  }
0x1c: {  	p1 =	slt.u32 s9, $0xF7A;
	s5 =	simm.s32 @!p2 $0x0  }
0x1d: {  	s5 =	simm.s32 @p1 $0x1;
	p0 =	seq.s32 s7, s2  }
0x1e: {  	s7 =	smul.u32 @!p0 $0xF7A, s2;
	p2 =	seq.s32 @!p0 s5, $0x0  }
0x1f: {  	s9 =	smul.u32 $0xF7A, s1;
	s8 =	simm.s32 @!p0 $0x1BF5;
	p2 =	por !p2, p0  }
0x20: {  	[sflag:s8] =	ssyncset.s32 @!p0 $0xFFFFF086;
	s6 =	sadd.s32 @!p0 s3, s7;
	s7 =	simm.s32 @!p0 $0x108  }
0x21: {  	s3 =	sadd.s32 s3, s9;
	s6 =	sadd.s32 @!p0 $0x88, s6;
	s7 =	simm.s32 @p2 $0x1082  }
0x22: {  	[simem:s7], [sflag:s8] =	dma.local @!p0 [hbm:s6], $0xF7A  }
0x23: {  	s9 =	sor.u32 $0xD0000000, s2;
	s6 =	simm.s32 $0x108;
	_ =	swait.ge @!p0 [sflag:s8], $0x0  }
0x24: {  	s3 =	sadd.s32 $0x88, s3;
	s6 =	simm.s32 @!p1 $0x1082;
	[sflag:s4] =	ssyncset.s32 $0xFFFFF086  }
0x25: {  	[simem:s6], [sflag:s4] =	dma.local [hbm:s3], $0xF7A  }
0x26: {  	[smem:$0x3F93] =	sst s1;
	(tag) =	ssettag s2;
	_ =	strace s9  }
0x27: {  	s1 =	sld [smem:$0x3FA3]  }
0x28: {  	s2 =	sld [smem:$0x3FA4]  }
0x29: {  	s4 =	sld [smem:$0x3FA6]  }
0x2a: {  	p0 =	seq.s32 s5, $0x0;
	s5 =	sld [smem:$0x3FA7]  }
0x2b: {  	s6 =	sld [smem:$0x3FA8]  }
0x2c: {  	s7 =	sld [smem:$0x3FA9]  }
0x2d: {  	s3 =	simm.s32 $0x108;
	s8 =	sld [smem:$0x3FAA]  }
0x2e: {  	s3 =	simm.s32 @!p0 $0x1082;
	s9 =	sld [smem:$0x3FAB]  }
0x2f: {  	lr =	sadd.s32 s0, s3;
	s0 =	sld [smem:$0x3FA2]  }
0x30: {  	s3 =	sld [smem:$0x3FA5]  }
0x31: {  	[smem:$0x3FAE] =	sst s10  }
0x32: {  	s10 =	sld [smem:$0x3FAC];
	_ =	sdelay $0x3  }
0x33: {  	p0 =	seq.s32 s10, $0x1;
	s10 =	sld [smem:$0x3FAE];
	_ =	sdelay $0x3  }
0x34: {  	[smem:$0x3FAE] =	sst s10  }
0x35: {  	s10 =	sld [smem:$0x3FAD];
	_ =	sdelay $0x3  }
0x36: {  	p1 =	seq.s32 s10, $0x1;
	s10 =	sld [smem:$0x3FAE];
	_ =	sdelay $0x3  }
0x37: {  	[smem:$0x3FAE] =	sst s10  }
0x38: {  	s10 =	sld [smem:$0x3FAF]  }
0x39: {  	_ = 	snop;
	(pc) =	sbr.ind lr, $3  }
0x3a: {  	_ = 	snop  }
0x3b: {  	_ = 	snop  }
0x3c: {  	p2 =	seq.s32 s10, $0x1;
	s10 =	sld [smem:$0x3FAE]  }
0x3d: {  	_ =	shalt  }
0x3e: {  	_ =	shalt  }
0x3f: {  	_ =	shalt  }
0x40: {  	_ =	shalt  }
0x41: {  	_ =	shalt  }
0x42: {  	_ =	shalt  }
0x43: {  	_ =	shalt  }
0x44: {  	_ =	shalt  }
0x45: {  	_ =	shalt  }
0x46: {  	_ =	shalt  }
0x47: {  	_ =	shalt  }
0x48: {  	_ =	shalt  }
0x49: {  	_ =	shalt  }
0x4a: {  	_ =	shalt  }
0x4b: {  	_ =	shalt  }
0x4c: {  	_ =	shalt  }
0x4d: {  	_ =	shalt  }
0x4e: {  	_ =	shalt  }
0x4f: {  	_ =	shalt  }
0x50: {  	_ =	shalt  }
0x51: {  	_ =	shalt  }
0x52: {  	_ =	shalt  }
0x53: {  	_ =	shalt  }
0x54: {  	_ =	shalt  }
0x55: {  	_ =	shalt  }
0x56: {  	_ =	shalt  }
0x57: {  	_ =	shalt  }
0x58: {  	_ =	shalt  }
0x59: {  	_ =	shalt  }
0x5a: {  	_ =	shalt  }
0x5b: {  	_ =	shalt  }
0x5c: {  	_ =	shalt  }
0x5d: {  	_ =	shalt  }
0x5e: {  	_ =	shalt  }
0x5f: {  	_ =	shalt  }
0x60: {  	_ =	shalt  }
0x61: {  	_ =	shalt  }
0x62: {  	_ =	shalt  }
0x63: {  	_ =	shalt  }
0x64: {  	_ =	shalt  }
0x65: {  	_ =	shalt  }
0x66: {  	_ =	shalt  }
0x67: {  	_ =	shalt  }
0x68: {  	_ =	shalt  }
0x69: {  	_ =	shalt  }
0x6a: {  	_ =	shalt  }
0x6b: {  	_ =	shalt  }
0x6c: {  	_ =	shalt  }
0x6d: {  	_ =	shalt  }
0x6e: {  	_ =	shalt  }
0x6f: {  	_ =	shalt  }
0x70: {  	_ =	shalt  }
0x71: {  	_ =	shalt  }
0x72: {  	_ =	shalt  }
0x73: {  	_ =	shalt  }
0x74: {  	_ =	shalt  }
0x75: {  	_ =	shalt  }
0x76: {  	_ =	shalt  }
0x77: {  	_ =	shalt  }
0x78: {  	_ =	shalt  }
0x79: {  	_ =	shalt  }
0x7a: {  	_ =	shalt  }
0x7b: {  	_ =	shalt  }
0x7c: {  	_ =	shalt  }
0x7d: {  	_ =	shalt  }
0x7e: {  	_ =	shalt  }
0x7f: {  	_ =	shalt  }
0x80: {  	_ =	shalt  }
0x81: {  	_ =	shalt  }
0x82: {  	_ =	shalt  }
0x83: {  	_ =	shalt  }
0x84: {  	_ =	shalt  }
0x85: {  	_ =	shalt  }
0x86: {  	_ =	shalt  }
0x87: {  	_ =	shalt  }
.Lfunc_end0:
.L_simem_size_0:
called_computation_lowered:
.L_overlay_start_0:
0x88: {  	s2 =	sld [smem:$0x3FD9]  }
0x89: {  	s3 =	sld [smem:$0x3FFE];
	_ =	sdelay $0x1  }
0x8a: {  	s1 =	srdreg.scid  }
0x8b: {  	s0 =	sand.u32 $0x1, s1  }
0x8c: {  	s17 =	sshll.u32 s0, $0xA;
	s2 =	sadd.s32 s3, s2  }
0x8d: {  	s2 =	sadd.s32 s2, s17  }
0x8e: {  	[smem:$0x3FBA] =	sst s2  }
0x8f: {  	_ = 	snop  }
0x90: {  	s2 =	sld [smem:$0x3FC9];
	(tm) =	ssettm $0x1  }
0x91: {  	s18 =	sld [smem:$0x3FFB];
	_ =	sdelay $0x3  }
0x92: {  	_ =	strace s18  }
0x93: {  	s3 =	sld [smem:$0x3FFC];
	_ =	sdelay $0x3  }
0x94: {  	_ =	strace s3  }
0x95: {  	s3 =	sld [smem:$0x3FFD];
	_ =	sdelay $0x3  }
0x96: {  	_ =	strace s3  }
0x97: {  	_ =	strace $0x8FFFFFFF  }
0x98: {  	s19 =	sld [smem:$0x3FDB];
	_ =	sdelay $0x1  }
0x99: {  	s4 =	simm.s32 $_scs_section_size  }
0x9a: {  	s5 =	simm.s32 $_size__tile_overlayer_lowered;
	s6 =	simm.s32 $_tile_overlayer_lowered  }
0x9b: {  	s22 =	simm.s32 $0x1BFF;
	s21 =	sshll.u32 s6, $0x1;
	s3 =	sadd.s32 s4, s19  }
0x9c: {  	s7 =	simm.s32 $0x0;
	s20 =	sshll.u32 s5, $0x1;
	s5 =	sadd.s32 s21, s3  }
0x9d: {  	[timem:s7], [sflag:s22] =	dma.local [hbm:s5], s20  }
0x9e: {  	_ =	swait.ge [sflag:s22], s20  }
0x9f: {  	s4 =	ssub.s32 $0x0, s20;
	[sflag:s22] =	ssyncset.done $0x0  }
0xa0: {  	[sflag:s22] =	ssyncadd.s32 s4;
	_ =	sdelay $0x1  }
0xa1: {  	s23 =	simm.s32 $0x1B8B  }
0xa2: {  	_ =	swait.ge [sflag:s23], $0x1  }
0xa3: {  	[sflag:s23] =	ssyncset.done $0x0  }
0xa4: {  	s25 =	simm.s32 $0x1B8E;
	s24 =	sld [smem:$0x3FFE];
	[sflag:s23] =	ssyncadd.s32 $0xFFFFFFFF  }
0xa5: {  	s26 =	simm.s32 $execute0_lowered;
	[smem:$0x3FD2] =	sst s25  }
0xa6: {  	s5 =	sshll.u32 s26, $0x1;
	_ =	strace $0x80000046;
	[dreg:$0x1] =	wrdreg $0xFFFFFFFF  }
0xa7: {  	s28 =	simm.s32 $_size_execute0_lowered;
	s3 =	sadd.s32 s3, s5;
	[dreg:$0x0] =	wrdreg $0x0  }
0xa8: {  	s5 =	sshll.u32 s28, $0x1;
	[dreg:$0x2] =	wrdreg s3  }
0xa9: {  	[dreg:$0x3] =	wrdreg s5  }
0xaa: {  	[dreg:$0x4] =	wrdreg $0xC0  }
0xab: {  	_ =	task [dreg:s7], $0x5FFFF  }
0xac: {  	[dreg:$0x1] =	wrdreg $0xFFFFFFFF  }
0xad: {  	[dreg:$0x0] =	wrdreg $0x60  }
0xae: {  	[dreg:$0x2] =	wrdreg s2  }
0xaf: {  	[dreg:$0x3] =	wrdreg s24  }
0xb0: {  	[dreg:$0x4] =	wrdreg $0x0  }
0xb1: {  	[dreg:$0x5] =	wrdreg $0x9  }
0xb2: {  	_ =	task.clear_ibuf [dreg:s7], $0x6FFFF;
	_ =	strace $0x90000046  }
0xb3: {  	s29 =	simm.s32 $0x9;
	_ =	strace $0x80000048  }
0xb4: {  	_ =	swait.ge [sflag:s29], $0x1  }
0xb5: {  	[sflag:s29] =	ssyncadd.s32 $0xFFFFFFFF  }
0xb6: {  	_ =	strace $0x90000048  }
0xb7: {  	_ =	sfence  }
0xb8: {  	s30 =	sld [smem:$0x0];
	_ =	sdelay $0x2  }
0xb9: {  	s31 =	sshll.u32 s1, $0xD;
	s1 =	sshrl.u32 s1, $0x2  }
0xba: {  	s3 =	sand.u32 $0x4000, s31;
	s1 =	sadd.s32 s1, s30  }
0xbb: {  	s0 =	sor.u32 s3, s0;
	s1 =	sshll.u32 s1, $0x11  }
0xbc: {  	s0 =	sor.u32 s1, s0  }
0xbd: {  	s0 =	sadd.s32 $0x8F2B, s0  }
0xbe: {  	[sflag:s0] =	ssyncadd.remote.s32 $0x1  }
0xbf: {  	_ =	sfence.sel $0xFFFF  }
0xc0: {  	[dreg:$0x0] =	wrdreg $0xFFFFFFFF;
	(pc) =	sbr.abs _section_cstart, $3  }
0xc1: {  	[dreg:$0x1] =	wrdreg $0xFFFFFFFF  }
0xc2: {  	_ =	task.clear_ibuf [dreg:s7], $0x2FFFF;
	_ =	strace $0x9FFFFFFF  }
0xc3: {  	(tm) =	ssettm $0x7FFFFFFF  }
tec
execute0_lowered:
.L_overlay_start_1:
0x0: {  	(tag) =	ssettag $0x1  }
0x1: {  	s0 =	srdreg.scid;
	s1 =	rddreg [dreg:$0x0]  }
0x2: {  	s12 =	stileid.u32;
	s4 =	rddreg [dreg:$0x1]  }
0x3: {  	s3 =	rddreg [dreg:$0x2];
	s5 =	simm.s32 $0x0;
	s7 =	smul.u32 $0x14000, s12  }
0x4: {  	s31 =	simm.s32 $0x4;
	s0 =	sand.u32 $0x1, s0;
	s10 =	smul.u32 $0x50000, s12  }
0x5: {  	s2 =	sshll.u32 s12, $0x1;
	[smem:$0x7FF] =	sst s5;
	s16 =	smul.u32 $0x5140, s12  }
0x6: {  	s5 =	sadd.s32 $0x2000, s4;
	s2 =	sor.u32 s0, s2;
	s17 =	smul.u32 $0x140000, s0  }
0x7: {  	_ =	strace $0x80000047;
	s11 =	ssub.s32 $0x2, s0;
	s0 =	smul.u32 $0x28A0, s0  }
0x8: {  	s6 =	smul.u32 $0x514, s2;
	s18 =	sshrl.u32 s11, $0x1;
	s10 =	sshrl.u32 s10, $0x2  }
0x9: {  	s2 =	smul.u32 $0x28A0, s2;
	s9 =	sadd.s32 s7, s17;
	s17 =	ssub.s32 s11, s18  }
0xa: {  	s13 =	sadd.s32 s10, s3;
	s7 =	sadd.s32 s7, s3;
	s0 =	sadd.s32 s0, s16  }
0xb: {  	s8 =	sadd.s32 s6, s4;
	s9 =	sshrl.u32 s9, $0x3;
	s19 =	sadd.s32 $0x3200, s13  }
0xc: {  	s20 =	sadd.s32 $0x6400, s13;
	s21 =	sadd.s32 $0x9600, s13;
	[dreg:$0x5] =	wrdreg s19  }
0xd: {  	s22 =	sadd.s32 $0xC800, s13;
	s2 =	sadd.s32 $0x68, s2;
	[dreg:$0x6] =	wrdreg s20  }
0xe: {  	s23 =	sadd.s32 $0xFA00, s13;
	s24 =	sadd.s32 $0x12C00, s13;
	[dreg:$0x7] =	wrdreg s21  }
0xf: {  	s6 =	sadd.s32 s5, s6;
	s25 =	sadd.s32 $0xD0, s0;
	[dreg:$0x8] =	wrdreg s22  }
0x10: {  	s26 =	sadd.s32 $0x1A0, s0;
	s17 =	smax.u32 s17, $0x1;
	[dreg:$0x9] =	wrdreg s23  }
0x11: {  	s30 =	sadd.s32 $0x138, s0;
	s4 =	sadd.s32 s9, s4;
	[dreg:$0xa] =	wrdreg s24  }
0x12: {  	s8 =	sadd.s32 $0xC400, s8;
	s2 =	sshrl.u32 s2, $0x3;
	[dreg:$0xb] =	wrdreg s6  }
0x13: {  	s21 =	simm.s32 $0x14000;
	s22 =	simm.s32 $0x169D8;
	s23 =	simm.s32 $0x7  }
0x14: {  	s24 =	simm.s32 $0x1;
	[dreg:$0x4] =	wrdreg s8;
	s15 =	sadd.s32 s5, s2  }
0x15: {  	s16 =	sadd.s32 $0x16800, s4;
	s2 =	sshrl.u32 s25, $0x3;
	s4 =	sshrl.u32 s26, $0x3  }
0x16: {  	s25 =	simm.s32 $0x168A0;
	s26 =	simm.s32 $0x64;
	s29 =	sadd.s32 s2, s5  }
0x17: {  	v0 =	vimm.f32 $0.0e+00;
	s28 =	sadd.s32 s4, s5;
	s2 =	simm.s32 $0x8;
	s4 =	simm.s32 $0x0  }
.LBB2_1:
0x18: {  	s0 =	simm.s32 $0x0;
	s6 =	rddreg [dreg:$0x4]  }
0x19: {  	[tilespmem:s21], [sflag:$0x1] =	stream.linear.gather [hbm4b:s6+s0], $0x28A0, $0x38;
	v63 =	vld [tilespmem:$0x0]  }
0x1a: {  	s0 =	simm.s32 $0x0;
	s6 =	simm.s32 $0x200  }
.LBB2_2:
0x1b: {  	p0 =	sne.s32 s6, $0xC600;
	[tilespmem:s0+$0x16A48] =	vst v0  }
0x1c: {  	[tilespmem:s0+$0x169D8] =	vst v0  }
0x1d: {  	[tilespmem:s0+$0x169E8] =	vst v0  }
.Ltmp0:
0x1e: {  	[tilespmem:s0+$0x169F8] =	vst v0;
	(pc) =	sbr.rel @p0 .LBB2_2-.Ltmp0, $4  }
0x1f: {  	[tilespmem:s0+$0x16A08] =	vst v0  }
0x20: {  	[tilespmem:s0+$0x16A18] =	vst v0  }
0x21: {  	[tilespmem:s0+$0x16A28] =	vst v0  }
0x22: {  	[tilespmem:s0+$0x16A38] =	vst v0;
	s0 =	sshra.s32 s6, $0x2;
	s6 =	sadd.s32 $0x200, s6  }
0x23: {  	[tilespmem:s0+$0x16A48] =	vst v0  }
0x24: {  	[tilespmem:s0+$0x169D8] =	vst v0  }
0x25: {  	[tilespmem:s0+$0x169E8] =	vst v0  }
0x26: {  	[tilespmem:s0+$0x169F8] =	vst v0  }
0x27: {  	[tilespmem:s0+$0x16A08] =	vst v0  }
0x28: {  	[tilespmem:s0+$0x16A18] =	vst v0  }
0x29: {  	[tilespmem:s0+$0x16A28] =	vst v0  }
0x2a: {  	[tilespmem:s0+$0x16A38] =	vst v0  }
0x2b: {  	[spmem:s7] =	stream.linear.scatter [tilespmem:s22], [sflag:$0x7], $0x3200, $0x38;
	v63 =	vld [tilespmem:$0x0]  }
0x2c: {  	_ =	swait.ge [sflag:s23], $0x3200  }
0x2d: {  	[sflag:s23] =	ssyncset.done $0x0  }
0x2e: {  	s10 =	rddreg [dreg:$0x5];
	[sflag:s23] =	ssyncadd.s32 $0xFFFFCE00  }
0x2f: {  	[spmem:s10] =	stream.linear.scatter [tilespmem:s22], [sflag:$0x7], $0x3200, $0x38;
	v63 =	vld [tilespmem:$0x0]  }
0x30: {  	_ =	swait.ge [sflag:s23], $0x3200  }
0x31: {  	[sflag:s23] =	ssyncset.done $0x0  }
0x32: {  	s11 =	rddreg [dreg:$0x6];
	[sflag:s23] =	ssyncadd.s32 $0xFFFFCE00  }
0x33: {  	[spmem:s11] =	stream.linear.scatter [tilespmem:s22], [sflag:$0x7], $0x3200, $0x38;
	v63 =	vld [tilespmem:$0x0]  }
0x34: {  	_ =	swait.ge [sflag:s23], $0x3200  }
0x35: {  	[sflag:s23] =	ssyncset.done $0x0  }
0x36: {  	s12 =	rddreg [dreg:$0x7];
	[sflag:s23] =	ssyncadd.s32 $0xFFFFCE00  }
0x37: {  	[spmem:s12] =	stream.linear.scatter [tilespmem:s22], [sflag:$0x7], $0x3200, $0x38;
	v63 =	vld [tilespmem:$0x0]  }
0x38: {  	_ =	swait.ge [sflag:s23], $0x3200  }
0x39: {  	[sflag:s23] =	ssyncset.done $0x0  }
0x3a: {  	s13 =	rddreg [dreg:$0x8];
	[sflag:s23] =	ssyncadd.s32 $0xFFFFCE00  }
0x3b: {  	[spmem:s13] =	stream.linear.scatter [tilespmem:s22], [sflag:$0x7], $0x3200, $0x38;
	v63 =	vld [tilespmem:$0x0]  }
0x3c: {  	_ =	swait.ge [sflag:s23], $0x3200  }
0x3d: {  	[sflag:s23] =	ssyncset.done $0x0  }
0x3e: {  	s14 =	rddreg [dreg:$0x9];
	[sflag:s23] =	ssyncadd.s32 $0xFFFFCE00  }
0x3f: {  	[spmem:s14] =	stream.linear.scatter [tilespmem:s22], [sflag:$0x7], $0x3200, $0x38;
	v63 =	vld [tilespmem:$0x0]  }
0x40: {  	_ =	swait.ge [sflag:s23], $0x3200  }
0x41: {  	[sflag:s23] =	ssyncset.done $0x0  }
0x42: {  	s18 =	rddreg [dreg:$0xa];
	[sflag:s23] =	ssyncadd.s32 $0xFFFFCE00  }
0x43: {  	[spmem:s18] =	stream.linear.scatter [tilespmem:s22], [sflag:$0x7], $0x1400, $0x38;
	v63 =	vld [tilespmem:$0x0]  }
0x44: {  	_ =	swait.ge [sflag:s23], $0x1400  }
0x45: {  	[sflag:s23] =	ssyncset.done $0x0  }
0x46: {  	[sflag:s23] =	ssyncadd.s32 $0xFFFFEC00  }
0x47: {  	_ =	swait.ge [sflag:s24], $0x28A0  }
0x48: {  	[sflag:s24] =	ssyncset.done $0x0  }
0x49: {  	s0 =	simm.s32 $0x0;
	s6 =	rddreg [dreg:$0xb];
	[sflag:s24] =	ssyncadd.s32 $0xFFFFD760  }
0x4a: {  	[tilespmem:s25], [sflag:$0x4] =	stream.linear.gather [hbm4b:s6+s0], $0x68, $0x38;
	v63 =	vld [tilespmem:$0x0]  }
0x4b: {  	_ = 	snop  }
0x4c: {  	[tilespmem:s22], [sflag:$0x1] =	stream.indirect.gather [hbm4b:s1+s26], $0x80, s21, s26, $0xb8;
	v63 =	vld [tilespmem:$0x0]  }
0x4d: {  	s19 =	simm.s32 $0x16908;
	s20 =	simm.s32 $0x14068  }
0x4e: {  	[tilespmem:s19], [sflag:$0x5] =	stream.linear.gather [hbm4b:s15+s0], $0x68, $0x38;
	v63 =	vld [tilespmem:$0x0]  }
0x4f: {  	s8 =	simm.s32 $0x19BD8;
	s18 =	smov.u32 s30;
	s6 =	simm.s32 $0x0  }
0x50: {  	[tilespmem:s8], [sflag:$0x2] =	stream.indirect.gather [hbm4b:s1+s26], $0x80, s20, s26, $0xb8;
	v63 =	vld [tilespmem:$0x0]  }
0x51: {  	s19 =	smov.u32 s29;
	s20 =	smov.u32 s28;
	[bflag:$0x0] =	sbarrier.arrive $0xFFFF  }
.LBB2_4:
0x52: {  	p0 =	seq.s32 s0, $0xA0E0  }
0x53: {  	s8 =	simm.s32 @!p0 $0x0;
	s9 =	simm.s32 @!p0 $0x16970;
	s10 =	sshra.s32 @!p0 s0, $0x2  }
0x54: {  	[tilespmem:s9], [sflag:$0x6] =	stream.linear.gather @!p0 [hbm4b:s19+s8], $0x68, $0x38;
	v63 =	vld [tilespmem:$0x0]  }
0x55: {  	s12 =	simm.s32 @!p0 $0x64;
	s13 =	simm.s32 @!p0 $0x1CDD8;
	s11 =	sadd.s32 @!p0 $0x140D0, s10  }
0x56: {  	[tilespmem:s13], [sflag:$0x3] =	stream.indirect.gather @!p0 [hbm4b:s1+s12], $0x80, s11, s12, $0xb8;
	v63 =	vld [tilespmem:$0x0]  }
0x57: {  	_ =	swait.ge [sflag:s24], $0x3200  }
0x58: {  	[sflag:s24] =	ssyncset.done $0x0  }
0x59: {  	[sflag:s24] =	ssyncadd.s32 $0xFFFFCE00  }
0x5a: {  	_ =	swait.ge [sflag:s31], $0x68  }
0x5b: {  	[sflag:s31] =	ssyncset.done $0x0  }
0x5c: {  	[sflag:s31] =	ssyncadd.s32 $0xFFFFFF98  }
0x5d: {  	[spmem:s3] =	stream.indirect.scatter.add.f32 [tilespmem:s22], [sflag:$0x8], $0x80, s25, s26, $0xb8;
	v63 =	vld [tilespmem:$0x0]  }
0x5e: {  	_ =	swait.ge [sflag:s2], $0x3200  }
0x5f: {  	s11 =	sshrl.u32 @!p0 s18, $0x3;
	[sflag:s2] =	ssyncset.done $0x0  }
0x60: {  	s14 =	simm.s32 @!p0 $0x168A0;
	s11 =	sadd.s32 @!p0 s5, s11;
	[sflag:s2] =	ssyncadd.s32 $0xFFFFCE00  }
0x61: {  	[tilespmem:s14], [sflag:$0x4] =	stream.linear.gather @!p0 [hbm4b:s11+s8], $0x68, $0x38;
	v63 =	vld [tilespmem:$0x0]  }
0x62: {  	s8 =	sadd.s32 @!p0 $0x14138, s10;
	s10 =	simm.s32 @!p0 $0x169D8  }
0x63: {  	[tilespmem:s10], [sflag:$0x1] =	stream.indirect.gather @!p0 [hbm4b:s1+s12], $0x80, s8, s12, $0xb8;
	v63 =	vld [tilespmem:$0x0]  }
0x64: {  	s8 =	simm.s32 @!p0 $0x2  }
0x65: {  	_ =	swait.ge @!p0 [sflag:s8], $0x3200  }
0x66: {  	[sflag:s8] =	ssyncset.done @!p0 $0x0  }
0x67: {  	[sflag:s8] =	ssyncadd.s32 @!p0 $0xFFFFCE00;
	s8 =	simm.s32 @!p0 $0x5  }
0x68: {  	_ =	swait.ge @!p0 [sflag:s8], $0x68  }
0x69: {  	[sflag:s8] =	ssyncset.done @!p0 $0x0  }
0x6a: {  	s10 =	simm.s32 @!p0 $0x19BD8;
	[sflag:s8] =	ssyncadd.s32 @!p0 $0xFFFFFF98;
	s8 =	simm.s32 @!p0 $0x16908  }
0x6b: {  	[spmem:s3] =	stream.indirect.scatter.add.f32 @!p0 [tilespmem:s10], [sflag:$0x8], $0x80, s8, s12, $0xb8;
	v63 =	vld [tilespmem:$0x0]  }
0x6c: {  	s8 =	simm.s32 @!p0 $0x8  }
0x6d: {  	p1 =	sgt.u32 @!p0 s6, $0x1F;
	_ =	swait.ge @!p0 [sflag:s8], $0x3200  }
0x6e: {  	p1 =	por p1, p0;
	[sflag:s8] =	ssyncset.done @!p0 $0x0  }
0x6f: {  	s10 =	simm.s32 @!p1 $0x16908;
	[sflag:s8] =	ssyncadd.s32 @!p0 $0xFFFFCE00;
	s8 =	simm.s32 @!p1 $0x0  }
0x70: {  	[tilespmem:s10], [sflag:$0x5] =	stream.linear.gather @!p1 [hbm4b:s20+s8], $0x68, $0x38;
	v63 =	vld [tilespmem:$0x0]  }
0x71: {  	s8 =	sshra.s32 @!p1 s0, $0x2  }
0x72: {  	s11 =	simm.s32 @!p1 $0x19BD8;
	s10 =	simm.s32 @!p1 $0x64;
	s8 =	sadd.s32 @!p1 $0x141A0, s8  }
0x73: {  	[tilespmem:s11], [sflag:$0x2] =	stream.indirect.gather @!p1 [hbm4b:s1+s10], $0x80, s8, s10, $0xb8;
	v63 =	vld [tilespmem:$0x0]  }
0x74: {  	s8 =	simm.s32 @!p0 $0x3  }
0x75: {  	_ =	swait.ge @!p0 [sflag:s8], $0x3200  }
0x76: {  	[sflag:s8] =	ssyncset.done @!p0 $0x0  }
0x77: {  	s0 =	sadd.s32 @!p0 $0x4E0, s0;
	[sflag:s8] =	ssyncadd.s32 @!p0 $0xFFFFCE00;
	s8 =	simm.s32 @!p0 $0x6  }
0x78: {  	p1 =	sne.s32 @!p0 s0, $0xA5C0;
	_ =	swait.ge @!p0 [sflag:s8], $0x68  }
0x79: {  	p1 =	por p0, !p1;
	[sflag:s8] =	ssyncset.done @!p0 $0x0  }
.Ltmp1:
0x7a: {  	[sflag:s8] =	ssyncadd.s32 @!p0 $0xFFFFFF98;
	s8 =	simm.s32 @!p0 $0x7;
	(pc) =	sbr.rel @!p1 .LBB2_4-.Ltmp1, $4  }
0x7b: {  	[spmem:s3] =	stream.indirect.scatter.add.f32 @!p0 [tilespmem:s13], [sflag:$0x7], $0x80, s9, s12, $0xb8;
	v63 =	vld [tilespmem:$0x0]  }
0x7c: {  	_ =	swait.ge @!p0 [sflag:s8], $0x3200  }
0x7d: {  	s6 =	sadd.s32 @!p0 $0x1, s6;
	s19 =	sadd.s32 @!p0 $0x27, s19;
	[sflag:s8] =	ssyncset.done @!p0 $0x0  }
0x7e: {  	s18 =	sadd.s32 @!p0 $0x138, s18;
	s20 =	sadd.s32 @!p0 $0x27, s20;
	[sflag:s8] =	ssyncadd.s32 @!p0 $0xFFFFCE00  }
0x7f: {  	s0 =	stileid.u32;
	s4 =	sadd.s32 $0x1, s4  }
0x80: {  	[bflag:$0x0] =	sbarrier.arrive $0xFFFF;
	s0 =	sshll.u32 s0, $0x6;
	p0 =	sne.s32 s4, s17  }
.Ltmp2:
0x81: {  	s6 =	sshrl.u32 s7, $0x3;
	s0 =	sor.u32 $0x1C07, s0;
	(pc) =	sbr.rel @p0 .LBB2_1-.Ltmp2, $4  }
0x82: {  	[hbm:s16], [sflag:s0] =	dma.local [spmem:s6], $0x2800  }
0x83: {  	_ =	swait.ge [sflag:s23], $0x2800  }
0x84: {  	[sflag:s23] =	ssyncset.done $0x0  }
0x85: {  	[sflag:s23] =	ssyncadd.s32 $0xFFFFD800  }
0x86: {  	_ =	sfence.sel $0x180000  }
0x87: {  	[bflag:$0x0] =	sbarrier.arrive $0xFFFF  }
0x88: {  	_ =	strace $0x90000047  }
0x89: {  	s0 =	stileid.u32;
	[bflag:$0x2] =	sbarrier.arrive $0xFFFF  }
0x8a: {  	p0 =	sne.s32 s0, $0x0;
	s0 =	rddreg [dreg:$0x3]  }
0x8b: {  	s0 =	sadd.s32 @!p0 $0x100000, s0  }
0x8c: {  	[sflag:s0] =	ssyncadd.tile.s32 @!p0 $0x1;
	_ =	shalt  }
.Lfunc_end2:
_tile_overlayer_lowered:
.L_overlay_start_2:
0x8d: {  	(tag) =	ssettag $0x2  }
0x8e: {  	s0 =	rddreg [dreg:$0x0];
	s2 =	stileid.u32  }
0x8f: {  	s1 =	rddreg [dreg:$0x1];
	p0 =	sne.s32 s2, $0x0  }
0x90: {  	s3 =	rddreg [dreg:$0x2];
	[bflag:$0x3] =	sbarrier.arrive $0xFFFF;
	s2 =	simm.s32 @!p0 $0x1C07  }
0x91: {  	[timem:s3], [sflag:s2] =	dma.local @!p0 [hbm:s0], s1  }
0x92: {  	s0 =	simm.s32 @!p0 $0x7  }
0x93: {  	_ =	swait.ge @!p0 [sflag:s0], s1  }
0x94: {  	s1 =	ssub.s32 @!p0 $0x0, s1;
	[sflag:s0] =	ssyncset.done @!p0 $0x0  }
0x95: {  	[sflag:s0] =	ssyncadd.s32 @!p0 s1  }
0x96: {  	[bflag:$0x3] =	sbarrier.arrive $0xFFFF  }
0x97: {  	_ =	shalt  }

// kernel: kernel.9.cloned.1.call-start
scs
__scs_entry_jumppad:
0x0: {  	(pc) =	sbr.rel $0x88, $3  }
0x1: {  	(tag) =	ssettag $0x0;
	lr =	simm.s32 $0x1  }
0x2: {  	[smem:$0x3F93] =	sst lr;
	_ =	strace $0xD0000000  }
0x3: {  	_ = 	snop  }
0x4: {  	_ = 	snop  }
0x5: {  	_ = 	snop  }
0x6: {  	_ = 	snop  }
0x7: {  	_ = 	snop  }
__scs_overlays_trampoline_lowered:
0x8: {  	[smem:$0x3FA2] =	sst s0  }
0x9: {  	[smem:$0x3FA3] =	sst s1  }
0xa: {  	[smem:$0x3FA4] =	sst s2  }
0xb: {  	[smem:$0x3FA5] =	sst s3  }
0xc: {  	[smem:$0x3FA6] =	sst s4  }
0xd: {  	[smem:$0x3FA7] =	sst s5  }
0xe: {  	[smem:$0x3FA8] =	sst s6  }
0xf: {  	[smem:$0x3FA9] =	sst s7  }
0x10: {  	[smem:$0x3FAA] =	sst s8  }
0x11: {  	[smem:$0x3FAB] =	sst s9;
	s0 =	simm.s32 @!p0 $0x0  }
0x12: {  	s1 =	sld [smem:$0x3F91];
	s0 =	simm.s32 @p0 $0x1  }
0x13: {  	[smem:$0x3FAC] =	sst s0;
	s0 =	simm.s32 @!p1 $0x0  }
0x14: {  	s2 =	sld [smem:$0x3F90];
	s0 =	simm.s32 @p1 $0x1  }
0x15: {  	[smem:$0x3FAD] =	sst s0;
	s0 =	simm.s32 @!p2 $0x0  }
0x16: {  	s3 =	sld [smem:$0x3FDB];
	s0 =	simm.s32 @p2 $0x1  }
0x17: {  	s4 =	simm.s32 $0x1BF5;
	[smem:$0x3FAF] =	sst s0  }
0x18: {  	s0 =	sld [smem:$0x3F92];
	_ =	swait.ge [sflag:s4], $0x0  }
0x19: {  	s7 =	sld [smem:$0x3F93]  }
0x1a: {  	s8 =	sadd.s32 $0xFFFFE003, lr  }
0x1b: {  	s9 =	sadd.s32 $0xFFFFFEF7, lr;
	s5 =	simm.s32 $0xFFFFFFFF;
	p2 =	slt.u32 s8, $0xFFFFF086  }
0x1c: {  	p1 =	slt.u32 s9, $0xF7A;
	s5 =	simm.s32 @!p2 $0x0  }
0x1d: {  	s5 =	simm.s32 @p1 $0x1;
	p0 =	seq.s32 s7, s2  }
0x1e: {  	s7 =	smul.u32 @!p0 $0xF7A, s2;
	p2 =	seq.s32 @!p0 s5, $0x0  }
0x1f: {  	s9 =	smul.u32 $0xF7A, s1;
	s8 =	simm.s32 @!p0 $0x1BF5;
	p2 =	por !p2, p0  }
0x20: {  	[sflag:s8] =	ssyncset.s32 @!p0 $0xFFFFF086;
	s6 =	sadd.s32 @!p0 s3, s7;
	s7 =	simm.s32 @!p0 $0x108  }
0x21: {  	s3 =	sadd.s32 s3, s9;
	s6 =	sadd.s32 @!p0 $0x88, s6;
	s7 =	simm.s32 @p2 $0x1082  }
0x22: {  	[simem:s7], [sflag:s8] =	dma.local @!p0 [hbm:s6], $0xF7A  }
0x23: {  	s9 =	sor.u32 $0xD0000000, s2;
	s6 =	simm.s32 $0x108;
	_ =	swait.ge @!p0 [sflag:s8], $0x0  }
0x24: {  	s3 =	sadd.s32 $0x88, s3;
	s6 =	simm.s32 @!p1 $0x1082;
	[sflag:s4] =	ssyncset.s32 $0xFFFFF086  }
0x25: {  	[simem:s6], [sflag:s4] =	dma.local [hbm:s3], $0xF7A  }
0x26: {  	[smem:$0x3F93] =	sst s1;
	(tag) =	ssettag s2;
	_ =	strace s9  }
0x27: {  	s1 =	sld [smem:$0x3FA3]  }
0x28: {  	s2 =	sld [smem:$0x3FA4]  }
0x29: {  	s4 =	sld [smem:$0x3FA6]  }
0x2a: {  	p0 =	seq.s32 s5, $0x0;
	s5 =	sld [smem:$0x3FA7]  }
0x2b: {  	s6 =	sld [smem:$0x3FA8]  }
0x2c: {  	s7 =	sld [smem:$0x3FA9]  }
0x2d: {  	s3 =	simm.s32 $0x108;
	s8 =	sld [smem:$0x3FAA]  }
0x2e: {  	s3 =	simm.s32 @!p0 $0x1082;
	s9 =	sld [smem:$0x3FAB]  }
0x2f: {  	lr =	sadd.s32 s0, s3;
	s0 =	sld [smem:$0x3FA2]  }
0x30: {  	s3 =	sld [smem:$0x3FA5]  }
0x31: {  	[smem:$0x3FAE] =	sst s10  }
0x32: {  	s10 =	sld [smem:$0x3FAC];
	_ =	sdelay $0x3  }
0x33: {  	p0 =	seq.s32 s10, $0x1;
	s10 =	sld [smem:$0x3FAE];
	_ =	sdelay $0x3  }
0x34: {  	[smem:$0x3FAE] =	sst s10  }
0x35: {  	s10 =	sld [smem:$0x3FAD];
	_ =	sdelay $0x3  }
0x36: {  	p1 =	seq.s32 s10, $0x1;
	s10 =	sld [smem:$0x3FAE];
	_ =	sdelay $0x3  }
0x37: {  	[smem:$0x3FAE] =	sst s10  }
0x38: {  	s10 =	sld [smem:$0x3FAF]  }
0x39: {  	_ = 	snop;
	(pc) =	sbr.ind lr, $3  }
0x3a: {  	_ = 	snop  }
0x3b: {  	_ = 	snop  }
0x3c: {  	p2 =	seq.s32 s10, $0x1;
	s10 =	sld [smem:$0x3FAE]  }
0x3d: {  	_ =	shalt  }
0x3e: {  	_ =	shalt  }
0x3f: {  	_ =	shalt  }
0x40: {  	_ =	shalt  }
0x41: {  	_ =	shalt  }
0x42: {  	_ =	shalt  }
0x43: {  	_ =	shalt  }
0x44: {  	_ =	shalt  }
0x45: {  	_ =	shalt  }
0x46: {  	_ =	shalt  }
0x47: {  	_ =	shalt  }
0x48: {  	_ =	shalt  }
0x49: {  	_ =	shalt  }
0x4a: {  	_ =	shalt  }
0x4b: {  	_ =	shalt  }
0x4c: {  	_ =	shalt  }
0x4d: {  	_ =	shalt  }
0x4e: {  	_ =	shalt  }
0x4f: {  	_ =	shalt  }
0x50: {  	_ =	shalt  }
0x51: {  	_ =	shalt  }
0x52: {  	_ =	shalt  }
0x53: {  	_ =	shalt  }
0x54: {  	_ =	shalt  }
0x55: {  	_ =	shalt  }
0x56: {  	_ =	shalt  }
0x57: {  	_ =	shalt  }
0x58: {  	_ =	shalt  }
0x59: {  	_ =	shalt  }
0x5a: {  	_ =	shalt  }
0x5b: {  	_ =	shalt  }
0x5c: {  	_ =	shalt  }
0x5d: {  	_ =	shalt  }
0x5e: {  	_ =	shalt  }
0x5f: {  	_ =	shalt  }
0x60: {  	_ =	shalt  }
0x61: {  	_ =	shalt  }
0x62: {  	_ =	shalt  }
0x63: {  	_ =	shalt  }
0x64: {  	_ =	shalt  }
0x65: {  	_ =	shalt  }
0x66: {  	_ =	shalt  }
0x67: {  	_ =	shalt  }
0x68: {  	_ =	shalt  }
0x69: {  	_ =	shalt  }
0x6a: {  	_ =	shalt  }
0x6b: {  	_ =	shalt  }
0x6c: {  	_ =	shalt  }
0x6d: {  	_ =	shalt  }
0x6e: {  	_ =	shalt  }
0x6f: {  	_ =	shalt  }
0x70: {  	_ =	shalt  }
0x71: {  	_ =	shalt  }
0x72: {  	_ =	shalt  }
0x73: {  	_ =	shalt  }
0x74: {  	_ =	shalt  }
0x75: {  	_ =	shalt  }
0x76: {  	_ =	shalt  }
0x77: {  	_ =	shalt  }
0x78: {  	_ =	shalt  }
0x79: {  	_ =	shalt  }
0x7a: {  	_ =	shalt  }
0x7b: {  	_ =	shalt  }
0x7c: {  	_ =	shalt  }
0x7d: {  	_ =	shalt  }
0x7e: {  	_ =	shalt  }
0x7f: {  	_ =	shalt  }
0x80: {  	_ =	shalt  }
0x81: {  	_ =	shalt  }
0x82: {  	_ =	shalt  }
0x83: {  	_ =	shalt  }
0x84: {  	_ =	shalt  }
0x85: {  	_ =	shalt  }
0x86: {  	_ =	shalt  }
0x87: {  	_ =	shalt  }
.Lfunc_end0:
.L_simem_size_0:
called_computation.1_lowered:
.L_overlay_start_0:
0x88: {  	s2 =	sld [smem:$0x3FD9]  }
0x89: {  	s3 =	sld [smem:$0x3FFE];
	_ =	sdelay $0x1  }
0x8a: {  	s1 =	srdreg.scid  }
0x8b: {  	s0 =	sand.u32 $0x1, s1  }
0x8c: {  	s16 =	sshll.u32 s0, $0xA;
	s2 =	sadd.s32 s3, s2  }
0x8d: {  	s2 =	sadd.s32 s2, s16  }
0x8e: {  	[smem:$0x3FBA] =	sst s2  }
0x8f: {  	_ = 	snop  }
0x90: {  	(tm) =	ssettm $0x1  }
0x91: {  	s17 =	sld [smem:$0x3FFB];
	_ =	sdelay $0x3  }
0x92: {  	_ =	strace s17  }
0x93: {  	s2 =	sld [smem:$0x3FFC];
	_ =	sdelay $0x3  }
0x94: {  	_ =	strace s2  }
0x95: {  	s2 =	sld [smem:$0x3FFD];
	_ =	sdelay $0x3  }
0x96: {  	_ =	strace s2  }
0x97: {  	_ =	strace $0x8FFFFFFF  }
0x98: {  	s18 =	sld [smem:$0x3FDB];
	_ =	sdelay $0x1  }
0x99: {  	s19 =	simm.s32 $_scs_section_size  }
0x9a: {  	s4 =	simm.s32 $_size__tile_overlayer_lowered;
	s5 =	simm.s32 $_tile_overlayer_lowered  }
0x9b: {  	s22 =	simm.s32 $0x1BFF;
	s21 =	sshll.u32 s5, $0x1;
	s2 =	sadd.s32 s19, s18  }
0x9c: {  	s6 =	simm.s32 $0x0;
	s20 =	sshll.u32 s4, $0x1;
	s4 =	sadd.s32 s21, s2  }
0x9d: {  	[timem:s6], [sflag:s22] =	dma.local [hbm:s4], s20  }
0x9e: {  	_ =	swait.ge [sflag:s22], s20  }
0x9f: {  	s3 =	ssub.s32 $0x0, s20;
	[sflag:s22] =	ssyncset.done $0x0  }
0xa0: {  	[sflag:s22] =	ssyncadd.s32 s3;
	_ =	sdelay $0x1  }
0xa1: {  	s23 =	simm.s32 $0x1B8B  }
0xa2: {  	_ =	swait.ge [sflag:s23], $0x1  }
0xa3: {  	[sflag:s23] =	ssyncset.done $0x0  }
0xa4: {  	s25 =	simm.s32 $0x1B8E;
	s24 =	sld [smem:$0x3FFE];
	[sflag:s23] =	ssyncadd.s32 $0xFFFFFFFF  }
0xa5: {  	s26 =	simm.s32 $execute0_lowered;
	[smem:$0x3FD2] =	sst s25  }
0xa6: {  	s4 =	sshll.u32 s26, $0x1;
	_ =	strace $0x80000049;
	[dreg:$0x1] =	wrdreg $0xFFFFFFFF  }
0xa7: {  	s28 =	simm.s32 $_size_execute0_lowered;
	s2 =	sadd.s32 s2, s4;
	[dreg:$0x0] =	wrdreg $0x0  }
0xa8: {  	s4 =	sshll.u32 s28, $0x1;
	[dreg:$0x2] =	wrdreg s2  }
0xa9: {  	[dreg:$0x3] =	wrdreg s4  }
0xaa: {  	[dreg:$0x4] =	wrdreg $0xC0  }
0xab: {  	_ =	task [dreg:s6], $0x5FFFF  }
0xac: {  	[dreg:$0x1] =	wrdreg $0xFFFFFFFF  }
0xad: {  	[dreg:$0x0] =	wrdreg $0x60  }
0xae: {  	[dreg:$0x2] =	wrdreg s24  }
0xaf: {  	[dreg:$0x3] =	wrdreg $0x0  }
0xb0: {  	[dreg:$0x4] =	wrdreg $0x9  }
0xb1: {  	_ =	task.clear_ibuf [dreg:s6], $0x5FFFF;
	_ =	strace $0x90000049  }
0xb2: {  	s29 =	simm.s32 $0x9;
	_ =	strace $0x8000004B  }
0xb3: {  	_ =	swait.ge [sflag:s29], $0x1  }
0xb4: {  	[sflag:s29] =	ssyncadd.s32 $0xFFFFFFFF  }
0xb5: {  	_ =	strace $0x9000004B  }
0xb6: {  	_ =	sfence  }
0xb7: {  	s30 =	sld [smem:$0x0];
	_ =	sdelay $0x2  }
0xb8: {  	s31 =	sshll.u32 s1, $0xD;
	s1 =	sshrl.u32 s1, $0x2  }
0xb9: {  	s3 =	sand.u32 $0x4000, s31;
	s1 =	sadd.s32 s1, s30  }
0xba: {  	s0 =	sor.u32 s3, s0;
	s1 =	sshll.u32 s1, $0x11  }
0xbb: {  	s0 =	sor.u32 s1, s0  }
0xbc: {  	s0 =	sadd.s32 $0x8F2B, s0  }
0xbd: {  	[sflag:s0] =	ssyncadd.remote.s32 $0x1  }
0xbe: {  	_ =	sfence.sel $0xFFFF  }
0xbf: {  	[dreg:$0x0] =	wrdreg $0xFFFFFFFF;
	(pc) =	sbr.abs _section_cstart, $3  }
0xc0: {  	[dreg:$0x1] =	wrdreg $0xFFFFFFFF  }
0xc1: {  	_ =	task.clear_ibuf [dreg:s6], $0x2FFFF;
	_ =	strace $0x9FFFFFFF  }
0xc2: {  	(tm) =	ssettm $0x7FFFFFFF  }
0xc3: {  	_ =	shalt  }
tec
execute0_lowered:
.L_overlay_start_1:
0x0: {  	(tag) =	ssettag $0x1  }
0x1: {  	s0 =	srdreg.scid  }
0x2: {  	s13 =	stileid.u32;
	s1 =	rddreg [dreg:$0x0]  }
0x3: {  	s2 =	rddreg [dreg:$0x1];
	s6 =	smul.u32 $0xA000, s13  }
0x4: {  	s29 =	simm.s32 $0xC900;
	s31 =	simm.s32 $0x10900;
	s9 =	smul.u32 $0x28000, s13  }
0x5: {  	s28 =	simm.s32 $0xCA00;
	s0 =	sand.u32 $0x1, s0;
	s19 =	smul.u32 $0xA00, s13  }
0x6: {  	s30 =	simm.s32 $0x14780;
	s3 =	sshll.u32 s13, $0x1;
	s7 =	smul.u32 $0xA0000, s0  }
0x7: {  	s4 =	sor.u32 s0, s3;
	s11 =	ssub.s32 $0x2, s0;
	s0 =	smul.u32 $0x500, s0  }
0x8: {  	s10 =	sadd.s32 $0x66800, s1;
	s3 =	simm.s32 $0x0;
	s5 =	smul.u32 $0x500, s4  }
0x9: {  	[smem:$0x7FF] =	sst s3;
	s4 =	sadd.s32 $0x2000, s1;
	s12 =	sshrl.u32 s11, $0x1  }
0xa: {  	s9 =	sshrl.u32 s9, $0x2;
	s24 =	sadd.s32 s19, s10;
	_ =	strace $0x8000004A  }
0xb: {  	s15 =	ssub.s32 s11, s12;
	s9 =	sadd.s32 s9, s2;
	s12 =	sadd.s32 s6, s2  }
0xc: {  	s7 =	sadd.s32 s6, s7;
	s16 =	sadd.s32 $0x1F40, s9;
	[dreg:$0x4] =	wrdreg s12  }
0xd: {  	s0 =	sadd.s32 s0, s24;
	s17 =	sadd.s32 $0x3E80, s9;
	[dreg:$0x5] =	wrdreg s16  }
0xe: {  	s24 =	simm.s32 $0x7D;
	s18 =	sadd.s32 $0x5DC0, s9;
	[dreg:$0x6] =	wrdreg s17  }
0xf: {  	s8 =	sadd.s32 s5, s1;
	s20 =	sadd.s32 $0x7D00, s9;
	[dreg:$0x7] =	wrdreg s18  }
0x10: {  	s7 =	sshrl.u32 s7, $0x3;
	s22 =	sadd.s32 $0x9C40, s9;
	[dreg:$0x8] =	wrdreg s20  }
0x11: {  	s21 =	sadd.s32 s10, s5;
	s26 =	smax.u32 s15, $0x1;
	[dreg:$0xa] =	wrdreg s22  }
0x12: {  	s0 =	sadd.s32 $0x40, s0;
	s5 =	simm.s32 $0x5;
	[dreg:$0x9] =	wrdreg s21  }
0x13: {  	s9 =	simm.s32 $0x0;
	s1 =	sadd.s32 s7, s1;
	[dreg:$0xf] =	wrdreg s26  }
0x14: {  	s8 =	sadd.s32 $0x70800, s8;
	s23 =	sadd.s32 $0x10, s21;
	[dreg:$0x10] =	wrdreg s0  }
0x15: {  	s25 =	sadd.s32 $0x20, s21;
	s6 =	sadd.s32 $0x30, s21;
	[dreg:$0x3] =	wrdreg s8  }
0x16: {  	s20 =	simm.s32 $0xCA80;
	s21 =	simm.s32 $0xB;
	[dreg:$0xb] =	wrdreg s23  }
0x17: {  	s22 =	simm.s32 $0x1;
	s26 =	simm.s32 $0x3;
	[dreg:$0xc] =	wrdreg s25  }
0x18: {  	s0 =	simm.s32 $0x8;
	s7 =	simm.s32 $0xA;
	[dreg:$0xd] =	wrdreg s6  }
0x19: {  	s1 =	sadd.s32 $0x15A00, s1;
	s8 =	simm.s32 $0xA000;
	s23 =	simm.s32 $0xC800  }
0x1a: {  	v0 =	vimm.f32 $0.0e+00;
	s25 =	simm.s32 $0xC;
	[dreg:$0xe] =	wrdreg s1;
	s1 =	simm.s32 $0x6  }
.LBB2_1:
0x1b: {  	[dreg:$0x11] =	wrdreg s9  }
0x1c: {  	s6 =	rddreg [dreg:$0x3];
	s10 =	simm.s32 $0x100;
	s9 =	simm.s32 $0x0  }
0x1d: {  	[tilespmem:s8], [sflag:$0x1] =	stream.linear.gather [hbm4b:s6+s3], $0x2800, $0x38;
	[tilespmem:$0x166C0] =	vst v63  }
.LBB2_2:
0x1e: {  	p0 =	sne.s32 s10, $0x7C00;
	[tilespmem:s9+$0xCAB0] =	vst v0;
	s11 =	smov.u32 s10;
	s10 =	sadd.s32 $0x100, s10  }
.Ltmp0:
0x1f: {  	[tilespmem:s9+$0xCAA0] =	vst v0;
	(pc) =	sbr.rel @p0 .LBB2_2-.Ltmp0, $3  }
0x20: {  	[tilespmem:s9+$0xCA80] =	vst v0  }
0x21: {  	[tilespmem:s9+$0xCA90] =	vst v0;
	_ =	sdelay $0x1  }
0x22: {  	s9 =	sshra.s32 s11, $0x2  }
0x23: {  	[tilespmem:s9+$0xCAB0] =	vst v0  }
0x24: {  	[tilespmem:s9+$0xCAA0] =	vst v0  }
0x25: {  	[tilespmem:s9+$0xCA80] =	vst v0  }
0x26: {  	[tilespmem:s9+$0xCA90] =	vst v0  }
0x27: {  	[spmem:s12] =	stream.linear.scatter [tilespmem:s20], [sflag:$0xB], $0x1F40, $0x38;
	[tilespmem:$0x166C0] =	vst v63  }
0x28: {  	_ =	swait.ge [sflag:s21], $0x1F40  }
0x29: {  	[sflag:s21] =	ssyncset.done $0x0  }
0x2a: {  	s6 =	rddreg [dreg:$0x5];
	[sflag:s21] =	ssyncadd.s32 $0xFFFFE0C0  }
0x2b: {  	[spmem:s6] =	stream.linear.scatter [tilespmem:s20], [sflag:$0xB], $0x1F40, $0x38;
	[tilespmem:$0x166C0] =	vst v63  }
0x2c: {  	_ =	swait.ge [sflag:s21], $0x1F40  }
0x2d: {  	[sflag:s21] =	ssyncset.done $0x0  }
0x2e: {  	s14 =	rddreg [dreg:$0x6];
	[sflag:s21] =	ssyncadd.s32 $0xFFFFE0C0  }
0x2f: {  	[spmem:s14] =	stream.linear.scatter [tilespmem:s20], [sflag:$0xB], $0x1F40, $0x38;
	[tilespmem:$0x166C0] =	vst v63  }
0x30: {  	_ =	swait.ge [sflag:s21], $0x1F40  }
0x31: {  	[sflag:s21] =	ssyncset.done $0x0  }
0x32: {  	s15 =	rddreg [dreg:$0x7];
	[sflag:s21] =	ssyncadd.s32 $0xFFFFE0C0  }
0x33: {  	[spmem:s15] =	stream.linear.scatter [tilespmem:s20], [sflag:$0xB], $0x1F40, $0x38;
	[tilespmem:$0x166C0] =	vst v63  }
0x34: {  	_ =	swait.ge [sflag:s21], $0x1F40  }
0x35: {  	[sflag:s21] =	ssyncset.done $0x0  }
0x36: {  	s16 =	rddreg [dreg:$0x8];
	[sflag:s21] =	ssyncadd.s32 $0xFFFFE0C0  }
0x37: {  	[spmem:s16] =	stream.linear.scatter [tilespmem:s20], [sflag:$0xB], $0x1F40, $0x38;
	[tilespmem:$0x166C0] =	vst v63  }
0x38: {  	_ =	swait.ge [sflag:s21], $0x1F40  }
0x39: {  	[sflag:s21] =	ssyncset.done $0x0  }
0x3a: {  	s17 =	rddreg [dreg:$0xa];
	[sflag:s21] =	ssyncadd.s32 $0xFFFFE0C0  }
0x3b: {  	[spmem:s17] =	stream.linear.scatter [tilespmem:s20], [sflag:$0xB], $0x3C0, $0x38;
	[tilespmem:$0x166C0] =	vst v63  }
0x3c: {  	_ =	swait.ge [sflag:s21], $0x3C0  }
0x3d: {  	[sflag:s21] =	ssyncset.done $0x0  }
0x3e: {  	[sflag:s21] =	ssyncadd.s32 $0xFFFFFC40  }
0x3f: {  	_ =	swait.ge [sflag:s22], $0x2800  }
0x40: {  	[sflag:s22] =	ssyncset.done $0x0  }
0x41: {  	s18 =	simm.s32 $0x0;
	s19 =	rddreg [dreg:$0x9];
	[sflag:s22] =	ssyncadd.s32 $0xFFFFD800  }
0x42: {  	[tilespmem:s23], [sflag:$0x6] =	stream.linear.gather [hbm4b:s19+s18], $0x80, $0x38;
	[tilespmem:$0x166C0] =	vst v63  }
0x43: {  	_ = 	snop  }
0x44: {  	[tilespmem:s20], [sflag:$0x1] =	stream.indirect.gather [hbm4b:s4+s24], $0x40, s8, s24, $0xb8;
	[tilespmem:$0x166C0] =	vst v63  }
0x45: {  	s10 =	simm.s32 $0xC880;
	s8 =	rddreg [dreg:$0xb]  }
0x46: {  	[tilespmem:s10], [sflag:$0x7] =	stream.linear.gather [hbm4b:s8+s18], $0x80, $0x38;
	[tilespmem:$0x166C0] =	vst v63  }
0x47: {  	s11 =	simm.s32 $0xA080;
	s12 =	simm.s32 $0xE9C0  }
0x48: {  	[tilespmem:s12], [sflag:$0x2] =	stream.indirect.gather [hbm4b:s4+s24], $0x40, s11, s24, $0xb8;
	[tilespmem:$0x166C0] =	vst v63  }
0x49: {  	s13 =	rddreg [dreg:$0xc]  }
0x4a: {  	[tilespmem:s29], [sflag:$0x8] =	stream.linear.gather [hbm4b:s13+s18], $0x80, $0x38;
	[tilespmem:$0x166C0] =	vst v63  }
0x4b: {  	s14 =	simm.s32 $0xA100  }
0x4c: {  	[tilespmem:s31], [sflag:$0x3] =	stream.indirect.gather [hbm4b:s4+s24], $0x40, s14, s24, $0xb8;
	[tilespmem:$0x166C0] =	vst v63  }
0x4d: {  	s16 =	simm.s32 $0xC980;
	s15 =	rddreg [dreg:$0xd]  }
0x4e: {  	[tilespmem:s16], [sflag:$0x9] =	stream.linear.gather [hbm4b:s15+s18], $0x80, $0x38;
	[tilespmem:$0x166C0] =	vst v63  }
0x4f: {  	s17 =	simm.s32 $0xA180;
	s18 =	simm.s32 $0x12840  }
0x50: {  	[tilespmem:s18], [sflag:$0x4] =	stream.indirect.gather [hbm4b:s4+s24], $0x40, s17, s24, $0xb8;
	[tilespmem:$0x166C0] =	vst v63  }
0x51: {  	[bflag:$0x0] =	sbarrier.arrive $0xFFFF  }
0x52: {  	s6 =	rddreg [dreg:$0x10]  }
0x53: {  	[tilespmem:s28], [sflag:$0xA] =	stream.linear.gather [hbm4b:s6+s3], $0x80, $0x38;
	[tilespmem:$0x166C0] =	vst v63  }
0x54: {  	s19 =	simm.s32 $0xA200  }
0x55: {  	[tilespmem:s30], [sflag:$0x5] =	stream.indirect.gather [hbm4b:s4+s24], $0x40, s19, s24, $0xb8;
	[tilespmem:$0x166C0] =	vst v63  }
0x56: {  	_ =	swait.ge [sflag:s22], $0x1F40  }
0x57: {  	[sflag:s22] =	ssyncset.done $0x0  }
0x58: {  	[sflag:s22] =	ssyncadd.s32 $0xFFFFE0C0  }
0x59: {  	_ =	swait.ge [sflag:s1], $0x80  }
0x5a: {  	[sflag:s1] =	ssyncset.done $0x0  }
0x5b: {  	[sflag:s1] =	ssyncadd.s32 $0xFFFFFF80  }
0x5c: {  	[spmem:s2] =	stream.indirect.scatter.add.f32 [tilespmem:s20], [sflag:$0xC], $0x40, s23, s24, $0xb8;
	[tilespmem:$0x166C0] =	vst v63  }
0x5d: {  	_ =	swait.ge [sflag:s25], $0x1F40  }
0x5e: {  	p0 =	por $0x0, $0x0;
	[sflag:s25] =	ssyncset.done $0x0  }
0x5f: {  	s9 =	simm.s32 @p0 $0x2;
	[sflag:s25] =	ssyncadd.s32 $0xFFFFE0C0  }
0x60: {  	_ =	swait.ge @p0 [sflag:s9], $0x1F40  }
0x61: {  	[sflag:s9] =	ssyncset.done @p0 $0x0  }
0x62: {  	[sflag:s9] =	ssyncadd.s32 @p0 $0xFFFFE0C0;
	s9 =	simm.s32 @p0 $0x7  }
0x63: {  	_ =	swait.ge @p0 [sflag:s9], $0x80  }
0x64: {  	s10 =	simm.s32 @p0 $0xE9C0;
	s11 =	simm.s32 @p0 $0xC;
	[sflag:s9] =	ssyncset.done @p0 $0x0  }
0x65: {  	s12 =	simm.s32 @p0 $0x7D;
	[sflag:s9] =	ssyncadd.s32 @p0 $0xFFFFFF80;
	s9 =	simm.s32 @p0 $0xC880  }
0x66: {  	[spmem:s2] =	stream.indirect.scatter.add.f32 @p0 [tilespmem:s10], [sflag:$0xC], $0x40, s9, s12, $0xb8;
	[tilespmem:$0x166C0] =	vst v63  }
0x67: {  	_ =	swait.ge @p0 [sflag:s11], $0x1F40  }
0x68: {  	s13 =	simm.s32 @!p0 $0xA280;
	s14 =	sadd.s32 @!p0 $0x10, s6;
	[sflag:s11] =	ssyncset.done @p0 $0x0  }
0x69: {  	s10 =	simm.s32 @!p0 $0xC800;
	s9 =	simm.s32 @!p0 $0x0;
	[sflag:s11] =	ssyncadd.s32 @p0 $0xFFFFE0C0  }
0x6a: {  	[tilespmem:s10], [sflag:$0x6] =	stream.linear.gather @!p0 [hbm4b:s14+s9], $0x80, $0x38;
	[tilespmem:$0x166C0] =	vst v63  }
0x6b: {  	s15 =	simm.s32 @!p0 $0x2;
	s10 =	simm.s32 @!p0 $0x7D;
	s14 =	simm.s32 @!p0 $0xCA80  }
0x6c: {  	[tilespmem:s14], [sflag:$0x1] =	stream.indirect.gather @!p0 [hbm4b:s4+s10], $0x40, s13, s10, $0xb8;
	[tilespmem:$0x166C0] =	vst v63  }
0x6d: {  	_ =	swait.ge @!p0 [sflag:s15], $0x1F40  }
0x6e: {  	[sflag:s15] =	ssyncset.done @!p0 $0x0  }
0x6f: {  	s13 =	simm.s32 @!p0 $0x7;
	[sflag:s15] =	ssyncadd.s32 @!p0 $0xFFFFE0C0  }
0x70: {  	_ =	swait.ge @!p0 [sflag:s13], $0x80  }
0x71: {  	s14 =	simm.s32 @!p0 $0xC;
	[sflag:s13] =	ssyncset.done @!p0 $0x0  }
0x72: {  	s15 =	simm.s32 @!p0 $0xE9C0;
	[sflag:s13] =	ssyncadd.s32 @!p0 $0xFFFFFF80;
	s13 =	simm.s32 @!p0 $0xC880  }
0x73: {  	[spmem:s2] =	stream.indirect.scatter.add.f32 @!p0 [tilespmem:s15], [sflag:$0xC], $0x40, s13, s10, $0xb8;
	[tilespmem:$0x166C0] =	vst v63  }
0x74: {  	_ =	swait.ge @!p0 [sflag:s14], $0x1F40  }
0x75: {  	[sflag:s14] =	ssyncset.done @!p0 $0x0  }
0x76: {  	s16 =	sadd.s32 @!p0 $0x20, s6;
	[sflag:s14] =	ssyncadd.s32 @!p0 $0xFFFFE0C0  }
0x77: {  	[tilespmem:s13], [sflag:$0x7] =	stream.linear.gather @!p0 [hbm4b:s16+s9], $0x80, $0x38;
	[tilespmem:$0x166C0] =	vst v63  }
0x78: {  	s13 =	simm.s32 @!p0 $0xA300  }
0x79: {  	[tilespmem:s15], [sflag:$0x2] =	stream.indirect.gather @!p0 [hbm4b:s4+s10], $0x40, s13, s10, $0xb8;
	[tilespmem:$0x166C0] =	vst v63  }
0x7a: {  	_ =	swait.ge [sflag:s26], $0x1F40  }
0x7b: {  	[sflag:s26] =	ssyncset.done $0x0  }
0x7c: {  	[sflag:s26] =	ssyncadd.s32 $0xFFFFE0C0  }
0x7d: {  	_ =	swait.ge [sflag:s0], $0x80  }
0x7e: {  	[sflag:s0] =	ssyncset.done $0x0  }
0x7f: {  	[sflag:s0] =	ssyncadd.s32 $0xFFFFFF80  }
0x80: {  	[spmem:s2] =	stream.indirect.scatter.add.f32 [tilespmem:s31], [sflag:$0xC], $0x40, s29, s24, $0xb8;
	[tilespmem:$0x166C0] =	vst v63  }
0x81: {  	_ =	swait.ge [sflag:s25], $0x1F40  }
0x82: {  	[sflag:s25] =	ssyncset.done $0x0  }
0x83: {  	s13 =	simm.s32 @p0 $0x4;
	[sflag:s25] =	ssyncadd.s32 $0xFFFFE0C0  }
0x84: {  	_ =	swait.ge @p0 [sflag:s13], $0x1F40  }
0x85: {  	[sflag:s13] =	ssyncset.done @p0 $0x0  }
0x86: {  	[sflag:s13] =	ssyncadd.s32 @p0 $0xFFFFE0C0;
	s13 =	simm.s32 @p0 $0x9  }
0x87: {  	_ =	swait.ge @p0 [sflag:s13], $0x80  }
0x88: {  	[sflag:s13] =	ssyncset.done @p0 $0x0  }
0x89: {  	s15 =	simm.s32 @p0 $0x12840;
	[sflag:s13] =	ssyncadd.s32 @p0 $0xFFFFFF80;
	s13 =	simm.s32 @p0 $0xC980  }
0x8a: {  	[spmem:s2] =	stream.indirect.scatter.add.f32 @p0 [tilespmem:s15], [sflag:$0xC], $0x40, s13, s12, $0xb8;
	[tilespmem:$0x166C0] =	vst v63  }
0x8b: {  	_ =	swait.ge @p0 [sflag:s11], $0x1F40  }
0x8c: {  	[sflag:s11] =	ssyncset.done @p0 $0x0  }
0x8d: {  	s12 =	simm.s32 @!p0 $0xC900;
	[sflag:s11] =	ssyncadd.s32 @p0 $0xFFFFE0C0;
	s11 =	sadd.s32 @!p0 $0x30, s6  }
0x8e: {  	[tilespmem:s12], [sflag:$0x8] =	stream.linear.gather @!p0 [hbm4b:s11+s9], $0x80, $0x38;
	[tilespmem:$0x166C0] =	vst v63  }
0x8f: {  	s11 =	simm.s32 @!p0 $0xA380;
	s12 =	simm.s32 @!p0 $0x10900  }
0x90: {  	[tilespmem:s12], [sflag:$0x3] =	stream.indirect.gather @!p0 [hbm4b:s4+s10], $0x40, s11, s10, $0xb8;
	[tilespmem:$0x166C0] =	vst v63  }
0x91: {  	s11 =	simm.s32 @!p0 $0x4  }
0x92: {  	_ =	swait.ge @!p0 [sflag:s11], $0x1F40  }
0x93: {  	[sflag:s11] =	ssyncset.done @!p0 $0x0  }
0x94: {  	[sflag:s11] =	ssyncadd.s32 @!p0 $0xFFFFE0C0;
	s11 =	simm.s32 @!p0 $0x9  }
0x95: {  	_ =	swait.ge @!p0 [sflag:s11], $0x80  }
0x96: {  	[sflag:s11] =	ssyncset.done @!p0 $0x0  }
0x97: {  	s12 =	simm.s32 @!p0 $0x12840;
	[sflag:s11] =	ssyncadd.s32 @!p0 $0xFFFFFF80;
	s11 =	simm.s32 @!p0 $0xC980  }
0x98: {  	[spmem:s2] =	stream.indirect.scatter.add.f32 @!p0 [tilespmem:s12], [sflag:$0xC], $0x40, s11, s10, $0xb8;
	[tilespmem:$0x166C0] =	vst v63  }
0x99: {  	_ =	swait.ge @!p0 [sflag:s14], $0x1F40  }
0x9a: {  	[sflag:s14] =	ssyncset.done @!p0 $0x0  }
0x9b: {  	s13 =	sadd.s32 @!p0 $0x40, s6;
	[sflag:s14] =	ssyncadd.s32 @!p0 $0xFFFFE0C0  }
0x9c: {  	[tilespmem:s11], [sflag:$0x9] =	stream.linear.gather @!p0 [hbm4b:s13+s9], $0x80, $0x38;
	[tilespmem:$0x166C0] =	vst v63  }
0x9d: {  	s9 =	simm.s32 @!p0 $0xA400  }
0x9e: {  	[tilespmem:s12], [sflag:$0x4] =	stream.indirect.gather @!p0 [hbm4b:s4+s10], $0x40, s9, s10, $0xb8;
	[tilespmem:$0x166C0] =	vst v63  }
0x9f: {  	_ =	swait.ge [sflag:s5], $0x1F40  }
0xa0: {  	[sflag:s5] =	ssyncset.done $0x0  }
0xa1: {  	[sflag:s5] =	ssyncadd.s32 $0xFFFFE0C0  }
0xa2: {  	_ =	swait.ge [sflag:s7], $0x80  }
0xa3: {  	[sflag:s7] =	ssyncset.done $0x0  }
0xa4: {  	[sflag:s7] =	ssyncadd.s32 $0xFFFFFF80  }
0xa5: {  	[spmem:s2] =	stream.indirect.scatter.add.f32 [tilespmem:s30], [sflag:$0xB], $0x40, s28, s24, $0xb8;
	[tilespmem:$0x166C0] =	vst v63  }
0xa6: {  	_ =	swait.ge [sflag:s21], $0x1F40  }
0xa7: {  	s9 =	simm.s32 $0xA00;
	s10 =	sadd.s32 $0x50, s6;
	[sflag:s21] =	ssyncset.done $0x0  }
.LBB2_4:
0xa8: {  	s11 =	sshra.s32 s9, $0x2  }
0xa9: {  	[sflag:s21] =	ssyncadd.s32 $0xFFFFE0C0;
	s12 =	smov.u32 s9;
	s9 =	sadd.s32 $0xA00, s9  }
0xaa: {  	[tilespmem:s28], [sflag:$0xA] =	stream.linear.gather [hbm4b:s10+s3], $0x80, $0x38;
	[tilespmem:$0x166C0] =	vst v63  }
0xab: {  	s11 =	sadd.s32 $0xA200, s11;
	p0 =	sne.s32 s9, $0xA000  }
0xac: {  	[tilespmem:s30], [sflag:$0x5] =	stream.indirect.gather [hbm4b:s4+s24], $0x40, s11, s24, $0xb8;
	[tilespmem:$0x166C0] =	vst v63  }
0xad: {  	_ =	swait.ge [sflag:s22], $0x1F40  }
0xae: {  	[sflag:s22] =	ssyncset.done $0x0  }
0xaf: {  	[sflag:s22] =	ssyncadd.s32 $0xFFFFE0C0  }
0xb0: {  	_ =	swait.ge [sflag:s1], $0x80  }
0xb1: {  	[sflag:s1] =	ssyncset.done $0x0  }
0xb2: {  	[sflag:s1] =	ssyncadd.s32 $0xFFFFFF80  }
0xb3: {  	[spmem:s2] =	stream.indirect.scatter.add.f32 [tilespmem:s20], [sflag:$0xC], $0x40, s23, s24, $0xb8;
	[tilespmem:$0x166C0] =	vst v63  }
0xb4: {  	_ =	swait.ge [sflag:s25], $0x1F40  }
0xb5: {  	p1 =	seq.s32 s12, $0x9600;
	[sflag:s25] =	ssyncset.done $0x0  }
0xb6: {  	s13 =	simm.s32 @p1 $0x2;
	s12 =	sshra.s32 @!p1 s12, $0x2;
	[sflag:s25] =	ssyncadd.s32 $0xFFFFE0C0  }
0xb7: {  	s16 =	sadd.s32 @!p1 $0xA280, s12;
	s11 =	sadd.s32 @!p1 $0xA300, s12;
	_ =	swait.ge @p1 [sflag:s13], $0x1F40  }
0xb8: {  	s14 =	sadd.s32 @!p1 $0xA380, s12;
	s12 =	sadd.s32 @!p1 $0xA400, s12;
	[sflag:s13] =	ssyncset.done @p1 $0x0  }
0xb9: {  	[sflag:s13] =	ssyncadd.s32 @p1 $0xFFFFE0C0;
	s13 =	simm.s32 @p1 $0x7  }
0xba: {  	_ =	swait.ge @p1 [sflag:s13], $0x80  }
0xbb: {  	s19 =	simm.s32 @p1 $0xE9C0;
	s15 =	simm.s32 @p1 $0xC;
	[sflag:s13] =	ssyncset.done @p1 $0x0  }
0xbc: {  	s17 =	simm.s32 @p1 $0x7D;
	[sflag:s13] =	ssyncadd.s32 @p1 $0xFFFFFF80;
	s13 =	simm.s32 @p1 $0xC880  }
0xbd: {  	[spmem:s2] =	stream.indirect.scatter.add.f32 @p1 [tilespmem:s19], [sflag:$0xC], $0x40, s13, s17, $0xb8;
	[tilespmem:$0x166C0] =	vst v63  }
0xbe: {  	_ =	swait.ge @p1 [sflag:s15], $0x1F40  }
0xbf: {  	s19 =	simm.s32 @!p1 $0xC800;
	[sflag:s15] =	ssyncset.done @p1 $0x0  }
0xc0: {  	s6 =	sadd.s32 @!p1 $0x10, s10;
	s13 =	simm.s32 @!p1 $0x0;
	[sflag:s15] =	ssyncadd.s32 @p1 $0xFFFFE0C0  }
0xc1: {  	[tilespmem:s19], [sflag:$0x6] =	stream.linear.gather @!p1 [hbm4b:s6+s13], $0x80, $0x38;
	[tilespmem:$0x166C0] =	vst v63  }
0xc2: {  	s18 =	simm.s32 @!p1 $0x2;
	s19 =	simm.s32 @!p1 $0x7D;
	s6 =	simm.s32 @!p1 $0xCA80  }
0xc3: {  	[tilespmem:s6], [sflag:$0x1] =	stream.indirect.gather @!p1 [hbm4b:s4+s19], $0x40, s16, s19, $0xb8;
	[tilespmem:$0x166C0] =	vst v63  }
0xc4: {  	_ =	swait.ge @!p1 [sflag:s18], $0x1F40  }
0xc5: {  	[sflag:s18] =	ssyncset.done @!p1 $0x0  }
0xc6: {  	s6 =	simm.s32 @!p1 $0x7;
	[sflag:s18] =	ssyncadd.s32 @!p1 $0xFFFFE0C0  }
0xc7: {  	_ =	swait.ge @!p1 [sflag:s6], $0x80  }
0xc8: {  	s16 =	simm.s32 @!p1 $0xC;
	[sflag:s6] =	ssyncset.done @!p1 $0x0  }
0xc9: {  	s18 =	simm.s32 @!p1 $0xE9C0;
	[sflag:s6] =	ssyncadd.s32 @!p1 $0xFFFFFF80;
	s6 =	simm.s32 @!p1 $0xC880  }
0xca: {  	[spmem:s2] =	stream.indirect.scatter.add.f32 @!p1 [tilespmem:s18], [sflag:$0xC], $0x40, s6, s19, $0xb8;
	[tilespmem:$0x166C0] =	vst v63  }
0xcb: {  	_ =	swait.ge @!p1 [sflag:s16], $0x1F40  }
0xcc: {  	[sflag:s16] =	ssyncset.done @!p1 $0x0  }
0xcd: {  	s8 =	sadd.s32 @!p1 $0x20, s10;
	[sflag:s16] =	ssyncadd.s32 @!p1 $0xFFFFE0C0  }
0xce: {  	[tilespmem:s6], [sflag:$0x7] =	stream.linear.gather @!p1 [hbm4b:s8+s13], $0x80, $0x38;
	[tilespmem:$0x166C0] =	vst v63  }
0xcf: {  	_ = 	snop  }
0xd0: {  	[tilespmem:s18], [sflag:$0x2] =	stream.indirect.gather @!p1 [hbm4b:s4+s19], $0x40, s11, s19, $0xb8;
	[tilespmem:$0x166C0] =	vst v63  }
0xd1: {  	_ =	swait.ge [sflag:s26], $0x1F40  }
0xd2: {  	[sflag:s26] =	ssyncset.done $0x0  }
0xd3: {  	[sflag:s26] =	ssyncadd.s32 $0xFFFFE0C0  }
0xd4: {  	_ =	swait.ge [sflag:s0], $0x80  }
0xd5: {  	[sflag:s0] =	ssyncset.done $0x0  }
0xd6: {  	[sflag:s0] =	ssyncadd.s32 $0xFFFFFF80  }
0xd7: {  	[spmem:s2] =	stream.indirect.scatter.add.f32 [tilespmem:s31], [sflag:$0xC], $0x40, s29, s24, $0xb8;
	[tilespmem:$0x166C0] =	vst v63  }
0xd8: {  	_ =	swait.ge [sflag:s25], $0x1F40  }
0xd9: {  	[sflag:s25] =	ssyncset.done $0x0  }
0xda: {  	s6 =	simm.s32 @p1 $0x4;
	[sflag:s25] =	ssyncadd.s32 $0xFFFFE0C0  }
0xdb: {  	_ =	swait.ge @p1 [sflag:s6], $0x1F40  }
0xdc: {  	[sflag:s6] =	ssyncset.done @p1 $0x0  }
0xdd: {  	[sflag:s6] =	ssyncadd.s32 @p1 $0xFFFFE0C0;
	s6 =	simm.s32 @p1 $0x9  }
0xde: {  	_ =	swait.ge @p1 [sflag:s6], $0x80  }
0xdf: {  	[sflag:s6] =	ssyncset.done @p1 $0x0  }
0xe0: {  	s8 =	simm.s32 @p1 $0x12840;
	[sflag:s6] =	ssyncadd.s32 @p1 $0xFFFFFF80;
	s6 =	simm.s32 @p1 $0xC980  }
0xe1: {  	[spmem:s2] =	stream.indirect.scatter.add.f32 @p1 [tilespmem:s8], [sflag:$0xC], $0x40, s6, s17, $0xb8;
	[tilespmem:$0x166C0] =	vst v63  }
0xe2: {  	_ =	swait.ge @p1 [sflag:s15], $0x1F40  }
0xe3: {  	[sflag:s15] =	ssyncset.done @p1 $0x0  }
0xe4: {  	s6 =	sadd.s32 @!p1 $0x30, s10;
	s8 =	simm.s32 @!p1 $0xC900;
	[sflag:s15] =	ssyncadd.s32 @p1 $0xFFFFE0C0  }
0xe5: {  	[tilespmem:s8], [sflag:$0x8] =	stream.linear.gather @!p1 [hbm4b:s6+s13], $0x80, $0x38;
	[tilespmem:$0x166C0] =	vst v63  }
0xe6: {  	s6 =	simm.s32 @!p1 $0x10900;
	s8 =	simm.s32 @!p1 $0x4  }
0xe7: {  	[tilespmem:s6], [sflag:$0x3] =	stream.indirect.gather @!p1 [hbm4b:s4+s19], $0x40, s14, s19, $0xb8;
	[tilespmem:$0x166C0] =	vst v63  }
0xe8: {  	_ =	swait.ge @!p1 [sflag:s8], $0x1F40  }
0xe9: {  	[sflag:s8] =	ssyncset.done @!p1 $0x0  }
0xea: {  	s6 =	simm.s32 @!p1 $0x9;
	[sflag:s8] =	ssyncadd.s32 @!p1 $0xFFFFE0C0  }
0xeb: {  	_ =	swait.ge @!p1 [sflag:s6], $0x80  }
0xec: {  	[sflag:s6] =	ssyncset.done @!p1 $0x0  }
0xed: {  	s8 =	simm.s32 @!p1 $0x12840;
	[sflag:s6] =	ssyncadd.s32 @!p1 $0xFFFFFF80;
	s6 =	simm.s32 @!p1 $0xC980  }
0xee: {  	[spmem:s2] =	stream.indirect.scatter.add.f32 @!p1 [tilespmem:s8], [sflag:$0xC], $0x40, s6, s19, $0xb8;
	[tilespmem:$0x166C0] =	vst v63  }
0xef: {  	_ =	swait.ge @!p1 [sflag:s16], $0x1F40  }
0xf0: {  	[sflag:s16] =	ssyncset.done @!p1 $0x0  }
0xf1: {  	s11 =	sadd.s32 @!p1 $0x40, s10;
	[sflag:s16] =	ssyncadd.s32 @!p1 $0xFFFFE0C0  }
0xf2: {  	[tilespmem:s6], [sflag:$0x9] =	stream.linear.gather @!p1 [hbm4b:s11+s13], $0x80, $0x38;
	[tilespmem:$0x166C0] =	vst v63  }
0xf3: {  	_ = 	snop  }
0xf4: {  	[tilespmem:s8], [sflag:$0x4] =	stream.indirect.gather @!p1 [hbm4b:s4+s19], $0x40, s12, s19, $0xb8;
	[tilespmem:$0x166C0] =	vst v63  }
0xf5: {  	_ =	swait.ge [sflag:s5], $0x1F40  }
0xf6: {  	[sflag:s5] =	ssyncset.done $0x0  }
0xf7: {  	[sflag:s5] =	ssyncadd.s32 $0xFFFFE0C0  }
0xf8: {  	_ =	swait.ge [sflag:s7], $0x80  }
.Ltmp1:
0xf9: {  	[sflag:s7] =	ssyncset.done $0x0;
	(pc) =	sbr.rel @p0 .LBB2_4-.Ltmp1, $4  }
0xfa: {  	[sflag:s7] =	ssyncadd.s32 $0xFFFFFF80  }
0xfb: {  	[spmem:s2] =	stream.indirect.scatter.add.f32 [tilespmem:s30], [sflag:$0xB], $0x40, s28, s24, $0xb8;
	[tilespmem:$0x166C0] =	vst v63  }
0xfc: {  	_ =	swait.ge [sflag:s21], $0x1F40  }
0xfd: {  	s10 =	sadd.s32 $0x50, s10;
	[sflag:s21] =	ssyncset.done $0x0  }
0xfe: {  	[sflag:s21] =	ssyncadd.s32 $0xFFFFE0C0  }
0xff: {  	s6 =	stileid.u32;
	[bflag:$0x0] =	sbarrier.arrive $0xFFFF  }
0x100: {  	s6 =	sshll.u32 s6, $0x6;
	s12 =	rddreg [dreg:$0x4]  }
0x101: {  	s6 =	sor.u32 $0x1C0B, s6;
	s9 =	rddreg [dreg:$0xe];
	s8 =	sshrl.u32 s12, $0x3  }
0x102: {  	[hbm:s9], [sflag:s6] =	dma.local [spmem:s8], $0x1400  }
0x103: {  	_ =	swait.ge [sflag:s21], $0x1400  }
0x104: {  	s18 =	rddreg [dreg:$0x11]  }
0x105: {  	s19 =	rddreg [dreg:$0xf];
	s9 =	sadd.s32 $0x1, s18  }
0x106: {  	p0 =	sne.s32 s9, s19  }
.Ltmp2:
0x107: {  	_ = 	snop;
	(pc) =	sbr.rel @p0 .LBB2_1-.Ltmp2, $3  }
0x108: {  	_ =	sdelay $0x1  }
0x109: {  	[sflag:s21] =	ssyncset.done $0x0  }
0x10a: {  	s8 =	simm.s32 $0xA000;
	[sflag:s21] =	ssyncadd.s32 $0xFFFFEC00  }
0x10b: {  	_ =	sfence.sel $0x180000  }
0x10c: {  	[bflag:$0x0] =	sbarrier.arrive $0xFFFF  }
0x10d: {  	_ =	strace $0x9000004A  }
0x10e: {  	s0 =	stileid.u32;
	[bflag:$0x2] =	sbarrier.arrive $0xFFFF  }
0x10f: {  	p0 =	sne.s32 s0, $0x0;
	s0 =	rddreg [dreg:$0x2]  }
0x110: {  	s0 =	sadd.s32 @!p0 $0x100000, s0  }
0x111: {  	[sflag:s0] =	ssyncadd.tile.s32 @!p0 $0x1;
	_ =	shalt  }
.Lfunc_end2:
_tile_overlayer_lowered:
.L_overlay_start_2:
0x112: {  	(tag) =	ssettag $0x2  }
0x113: {  	s0 =	rddreg [dreg:$0x0];
	s2 =	stileid.u32  }
0x114: {  	s1 =	rddreg [dreg:$0x1];
	p0 =	sne.s32 s2, $0x0  }
0x115: {  	s3 =	rddreg [dreg:$0x2];
	[bflag:$0x3] =	sbarrier.arrive $0xFFFF;
	s2 =	simm.s32 @!p0 $0x1C0B  }
0x116: {  	[timem:s3], [sflag:s2] =	dma.local @!p0 [hbm:s0], s1  }
0x117: {  	s0 =	simm.s32 @!p0 $0xB  }
0x118: {  	_ =	swait.ge @!p0 [sflag:s0], s1  }
0x119: {  	s1 =	ssub.s32 @!p0 $0x0, s1;
	[sflag:s0] =	ssyncset.done @!p0 $0x0  }
0x11a: {  	[sflag:s0] =	ssyncadd.s32 @!p0 s1  }
0x11b: {  	[bflag:$0x3] =	sbarrier.arrive $0xFFFF  }
0x11c: {  	_ =	shalt  }

</sc_bundles>
